<compile_context>
chip_gen: v7x
topology: tpu7x:2x2x1
jax: 0.10.2.dev20260603
libtpu: 0.0.44.dev20260713+nightly
codegen_flags: <defaults>
</compile_context>

<pallas_src>
import functools

import jax
import jax.numpy as jnp
from jax import lax
from jax.experimental import pallas as pl
from jax.experimental.pallas import tpu as pltpu
from jax.experimental.pallas import tpu_sc as plsc


def _sc_gather_chunk(table, ids, row_off, rows, d):
    info = plsc.get_sparse_core_info()
    nc, ns = info.num_cores, info.num_subcores
    nw = nc * ns
    per_w = rows // nw
    assert per_w * nw == rows
    ch = max(c for c in range(8, 129, 8) if per_w % c == 0)
    n_ch = per_w // ch
    mesh = plsc.VectorSubcoreMesh(core_axis_name="c", subcore_axis_name="s")

    @functools.partial(
        pl.kernel,
        mesh=mesh,
        out_type=jax.ShapeDtypeStruct((rows, d), jnp.float32),
        scratch_types=[
            pltpu.VMEM((per_w,), jnp.int32),
            pltpu.VMEM((per_w, d), jnp.float32),
        ]
        + [pltpu.SemaphoreType.DMA] * (2 * n_ch),
    )
    def gather_k(table_hbm, ids_hbm, out_hbm, idx_v, rows_v, *sems):
        wid = lax.axis_index("s") * nc + lax.axis_index("c")
        base = wid * per_w
        pltpu.sync_copy(ids_hbm.at[pl.ds(row_off + base, per_w)], idx_v)
        gathers = [
            pltpu.async_copy(
                table_hbm.at[idx_v.at[pl.ds(j * ch, ch)]],
                rows_v.at[pl.ds(j * ch, ch)],
                sems[j],
            )
            for j in range(n_ch)
        ]
        writes = []
        for j in range(n_ch):
            gathers[j].wait()
            writes.append(
                pltpu.async_copy(
                    rows_v.at[pl.ds(j * ch, ch)],
                    out_hbm.at[pl.ds(base + j * ch, ch)],
                    sems[n_ch + j],
                )
            )
        for w in writes:
            w.wait()

    return gather_k(table, ids)


def _mlp_body(buf_ref, le_ref, cond_ref, w1_ref, b1_ref, w2_ref, b2_ref,
              w3_ref, b3_ref, out_ref, *, ed):
    del buf_ref
    x = jnp.concatenate([le_ref[:, :ed], cond_ref[...]], axis=1)
    h = jnp.dot(x, w1_ref[...], preferred_element_type=jnp.float32) + b1_ref[...]
    h = jnp.maximum(h, 0.0)
    h = jnp.dot(h, w2_ref[...], preferred_element_type=jnp.float32) + b2_ref[...]
    h = jnp.maximum(h, 0.0)
    logits = jnp.dot(h, w3_ref[...], preferred_element_type=jnp.float32) + b3_ref[...]
    m = jnp.max(logits, axis=1, keepdims=True)
    e = jnp.exp(logits - m)
    out_ref[...] = e / jnp.sum(e, axis=1, keepdims=True)


def _mlp_chunk(buf, le, cond, w1, b1, w2, b2, w3, b3, block_b, off, ed):
    rows = le.shape[0]
    b_full, cd = cond.shape
    out = w3.shape[1]
    grid = (rows // block_b,)
    body = functools.partial(_mlp_body, ed=ed)
    common_specs = [
        pl.BlockSpec((block_b, le.shape[1]), lambda i: (i, 0)),
        pl.BlockSpec((block_b, cd), lambda i, o=off: (i + o, 0)),
        pl.BlockSpec(w1.shape, lambda i: (0, 0)),
        pl.BlockSpec(b1.shape, lambda i: (0, 0)),
        pl.BlockSpec(w2.shape, lambda i: (0, 0)),
        pl.BlockSpec(b2.shape, lambda i: (0, 0)),
        pl.BlockSpec(w3.shape, lambda i: (0, 0)),
        pl.BlockSpec(b3.shape, lambda i: (0, 0)),
    ]
    out_spec = pl.BlockSpec((block_b, out), lambda i, o=off: (i + o, 0))
    out_shape = jax.ShapeDtypeStruct((b_full, out), jnp.float32)
    params = pltpu.CompilerParams(dimension_semantics=("arbitrary",))
    if buf is None:
        def body0(*refs):
            body(None, *refs)
        return pl.pallas_call(
            body0, grid=grid, in_specs=common_specs, out_specs=out_spec,
            out_shape=out_shape, compiler_params=params,
        )(le, cond, w1, b1, w2, b2, w3, b3)
    return pl.pallas_call(
        body, grid=grid,
        in_specs=[pl.BlockSpec(memory_space=pl.ANY)] + common_specs,
        out_specs=out_spec, out_shape=out_shape,
        input_output_aliases={0: 0}, compiler_params=params,
    )(buf, le, cond, w1, b1, w2, b2, w3, b3)


def kernel(conditions, length_ids, emb, W1, b1, W2, b2, W3, b3):
    b = conditions.shape[0]
    d = emb.shape[1]
    block_b = 4096
    chunk_rows = (b // 2, b // 2)
    dpad = 128
    emb_p = jnp.pad(emb, ((0, 0), (0, dpad - d)))
    ids = length_ids.astype(jnp.int32)
    b1r, b2r, b3r = b1.reshape(1, -1), b2.reshape(1, -1), b3.reshape(1, -1)

    n_chunk = len(chunk_rows)
    offs = [sum(chunk_rows[:c]) for c in range(n_chunk + 1)]
    les = [None] * n_chunk
    les[0] = _sc_gather_chunk(emb_p, ids, offs[0], chunk_rows[0], dpad)
    buf = None
    for c in range(n_chunk):
        if c + 1 < n_chunk:
            les[c + 1] = _sc_gather_chunk(emb_p, ids, offs[c + 1],
                                          chunk_rows[c + 1], dpad)
        buf = _mlp_chunk(buf, les[c], conditions, W1, b1r, W2, b2r, W3, b3r,
                         block_b=block_b, off=offs[c] // block_b, ed=d)
    return buf

# --- scband reference (transcript-rebuilt; emitter-appended) ---
"""Pipeline reference for scband-adaptive-length-sampler-10307921510524 (READ-ONLY COPY).

The authoritative reference and input builder live on the scoring server;
editing this copy changes nothing except your own understanding.
"""

import jax, jax.numpy as jnp
import numpy as np

B = 16384
MAXL = 512
MINL = 5
EDIM = 64
CDIM = 64
OUT = MAXL - MINL + 1

def setup_inputs(seed: int = 0) -> dict:
    key = jax.random.key(seed)
    ks = jax.random.split(key, 10)
    conditions = jax.random.normal(ks[0], (B, CDIM), dtype=jnp.float32)
    length_ids = jax.random.randint(ks[1], (B,), 0, MAXL + 1)
    emb = jax.random.normal(ks[2], (MAXL + 1, EDIM), dtype=jnp.float32) * 0.02
    W1 = jax.random.normal(ks[3], (EDIM + CDIM, 128), dtype=jnp.float32) * (1.0 / np.sqrt(EDIM + CDIM))
    b1 = jnp.zeros((128,), dtype=jnp.float32)
    W2 = jax.random.normal(ks[4], (128, 64), dtype=jnp.float32) * (1.0 / np.sqrt(128.0))
    b2 = jnp.zeros((64,), dtype=jnp.float32)
    W3 = jax.random.normal(ks[5], (64, OUT), dtype=jnp.float32) * (1.0 / np.sqrt(64.0))
    b3 = jnp.zeros((OUT,), dtype=jnp.float32)
    return {"conditions": conditions, "length_ids": length_ids, "emb": emb,
            "W1": W1, "b1": b1, "W2": W2, "b2": b2, "W3": W3, "b3": b3}

def reference(conditions, length_ids, emb, W1, b1, W2, b2, W3, b3):
    # length embedding lookup (nn.Embedding)
    le = jnp.take(emb, length_ids, axis=0)
    # condition_length_predictor: Linear -> ReLU -> Linear -> ReLU -> Linear -> Softmax
    x = jnp.concatenate([le, conditions], axis=-1)
    h = jax.nn.relu(x @ W1 + b1)
    h = jax.nn.relu(h @ W2 + b2)
    logits = h @ W3 + b3
    probs = jax.nn.softmax(logits, axis=-1)
    return probs

if __name__ == "__main__":
    import jax
    _d = setup_inputs()
    print(jax.jit(kernel)(*tuple(_d.values())))

</pallas_src>

<mosaic_0001>
#map = affine_map<(d0, d1) -> (0, 0)>
#map1 = affine_map<(d0, d1) -> (0)>
module attributes {stable_mosaic.version = 14 : i64} {
  func.func @gather_k(%arg0: i32, %arg1: i32, %arg2: memref<513x128xf32, #tpu.memory_space<hbm>>, %arg3: memref<16384xi32, #tpu.memory_space<hbm>>, %arg4: memref<8192x128xf32, #tpu.memory_space<hbm>>, %arg5: memref<256xi32, #tpu.memory_space<vmem>>, %arg6: memref<256x128xf32, #tpu.memory_space<vmem>>, %arg7: memref<!tpu.dma_semaphore, #tpu.memory_space<semaphore_mem>>, %arg8: memref<!tpu.dma_semaphore, #tpu.memory_space<semaphore_mem>>, %arg9: memref<!tpu.dma_semaphore, #tpu.memory_space<semaphore_mem>>, %arg10: memref<!tpu.dma_semaphore, #tpu.memory_space<semaphore_mem>>) attributes {dimension_semantics = [#tpu.dimension_semantics<core_parallel>, #tpu.dimension_semantics<subcore_parallel>], iteration_bounds = array<i64: 2, 16>, scalar_prefetch = 0 : i64, scratch_operands = 6 : i64, tpu.core_type = #tpu.core_type<sc_vector_subcore>, window_params = [{transform_indices = #map}, {transform_indices = #map1}, {transform_indices = #map}]} {
    %mul3A = arith.constant 2 : i32
    %mul3A_0 = arith.muli %arg1, %mul3A : i32
    %add3A = arith.addi %mul3A_0, %arg0 : i32
    %mul3A_1 = arith.constant 256 : i32
    %mul3A_2 = arith.muli %add3A, %mul3A_1 : i32
    %add3A_3 = arith.constant 0 : i32
    %add3A_4 = arith.addi %add3A_3, %mul3A_2 : i32
    "tpu.region"() ({
      %run_scoped3A = tpu.sem_alloc : memref<!tpu.dma_semaphore, #tpu.memory_space<semaphore_mem>>
      %dma_start3A_79 = tpu.memref_slice %arg3[%add3A_4] : memref<16384xi32, #tpu.memory_space<hbm>> -> memref<256xi32, #tpu.memory_space<hbm>>
      %dma_start3A_80 = tpu.memref_slice %arg3[%add3A_4] : memref<16384xi32, #tpu.memory_space<hbm>> -> memref<256xi32, #tpu.memory_space<hbm>>
      tpu.enqueue_dma source(%dma_start3A_80 : memref<256xi32, #tpu.memory_space<hbm>>) target(%arg5 : memref<256xi32, #tpu.memory_space<vmem>>) target_semaphore(%run_scoped3A : memref<!tpu.dma_semaphore, #tpu.memory_space<semaphore_mem>>)
      %dma_wait3A_81 = tpu.memref_slice %arg3[%add3A_4] : memref<16384xi32, #tpu.memory_space<hbm>> -> memref<256xi32, #tpu.memory_space<hbm>>
      %dma_wait3A_82 = tpu.memref_slice %arg3[%add3A_4] : memref<16384xi32, #tpu.memory_space<hbm>> -> memref<256xi32, #tpu.memory_space<hbm>>
      tpu.wait_dma2 semaphore(%run_scoped3A : memref<!tpu.dma_semaphore, #tpu.memory_space<semaphore_mem>>) src(%dma_wait3A_82 : memref<256xi32, #tpu.memory_space<hbm>>) dst(%arg5 : memref<256xi32, #tpu.memory_space<vmem>>)
      tpu.yield
    }) : () -> ()
    %dma_start3A = arith.constant 0 : i32
    %dma_start3A_5 = arith.constant 0 : i32
    %dma_start3A_6 = tpu.memref_slice %arg6[%dma_start3A, %dma_start3A_5] : memref<256x128xf32, #tpu.memory_space<vmem>> -> memref<128x128xf32, #tpu.memory_space<vmem>>
    %dma_start3A_7 = arith.constant 0 : i32
    %dma_start3A_8 = tpu.memref_slice %arg5[%dma_start3A_7] : memref<256xi32, #tpu.memory_space<vmem>> -> memref<128xi32, #tpu.memory_space<vmem>>
    %dma_start3A_9 = arith.constant 0 : i32
    %dma_start3A_10 = arith.constant 0 : i32
    %dma_start3A_11 = tpu.memref_slice %arg2[%dma_start3A_9, %dma_start3A_10] : memref<513x128xf32, #tpu.memory_space<hbm>> -> memref<513x128xf32, #tpu.memory_space<hbm>>
    tpu.enqueue_indirect_dma source(%dma_start3A_11 : memref<513x128xf32, #tpu.memory_space<hbm>>) target(%dma_start3A_6 : memref<128x128xf32, #tpu.memory_space<vmem>>) offsets(%dma_start3A_8 : memref<128xi32, #tpu.memory_space<vmem>>) semaphore(%arg7 : memref<!tpu.dma_semaphore, #tpu.memory_space<semaphore_mem>>)
    %dma_start3A_12 = arith.constant 128 : i32
    %dma_start3A_13 = arith.constant 0 : i32
    %dma_start3A_14 = tpu.memref_slice %arg6[%dma_start3A_12, %dma_start3A_13] : memref<256x128xf32, #tpu.memory_space<vmem>> -> memref<128x128xf32, #tpu.memory_space<vmem>>
    %dma_start3A_15 = arith.constant 128 : i32
    %dma_start3A_16 = tpu.memref_slice %arg5[%dma_start3A_15] : memref<256xi32, #tpu.memory_space<vmem>> -> memref<128xi32, #tpu.memory_space<vmem>>
    %dma_start3A_17 = arith.constant 0 : i32
    %dma_start3A_18 = arith.constant 0 : i32
    %dma_start3A_19 = tpu.memref_slice %arg2[%dma_start3A_17, %dma_start3A_18] : memref<513x128xf32, #tpu.memory_space<hbm>> -> memref<513x128xf32, #tpu.memory_space<hbm>>
    tpu.enqueue_indirect_dma source(%dma_start3A_19 : memref<513x128xf32, #tpu.memory_space<hbm>>) target(%dma_start3A_14 : memref<128x128xf32, #tpu.memory_space<vmem>>) offsets(%dma_start3A_16 : memref<128xi32, #tpu.memory_space<vmem>>) semaphore(%arg8 : memref<!tpu.dma_semaphore, #tpu.memory_space<semaphore_mem>>)
    %dma_wait3A = arith.constant 0 : i32
    %dma_wait3A_20 = arith.constant 0 : i32
    %dma_wait3A_21 = tpu.memref_slice %arg6[%dma_wait3A, %dma_wait3A_20] : memref<256x128xf32, #tpu.memory_space<vmem>> -> memref<128x128xf32, #tpu.memory_space<vmem>>
    %dma_wait3A_22 = arith.constant 0 : i32
    %dma_wait3A_23 = tpu.memref_slice %arg5[%dma_wait3A_22] : memref<256xi32, #tpu.memory_space<vmem>> -> memref<128xi32, #tpu.memory_space<vmem>>
    %dma_wait3A_24 = arith.constant 0 : i32
    %dma_wait3A_25 = arith.constant 0 : i32
    %dma_wait3A_26 = tpu.memref_slice %arg2[%dma_wait3A_24, %dma_wait3A_25] : memref<513x128xf32, #tpu.memory_space<hbm>> -> memref<513x128xf32, #tpu.memory_space<hbm>>
    tpu.wait_indirect_dma semaphore(%arg7 : memref<!tpu.dma_semaphore, #tpu.memory_space<semaphore_mem>>) src(%dma_wait3A_26 : memref<513x128xf32, #tpu.memory_space<hbm>>) dst(%dma_wait3A_21 : memref<128x128xf32, #tpu.memory_space<vmem>>)
    %add3A_27 = arith.constant 0 : i32
    %add3A_28 = arith.addi %mul3A_2, %add3A_27 : i32
    %dma_start3A_29 = arith.constant 0 : i32
    %dma_start3A_30 = arith.constant 0 : i32
    %dma_start3A_31 = tpu.memref_slice %arg6[%dma_start3A_29, %dma_start3A_30] : memref<256x128xf32, #tpu.memory_space<vmem>> -> memref<128x128xf32, #tpu.memory_space<vmem>>
    %dma_start3A_32 = arith.constant 0 : i32
    %dma_start3A_33 = tpu.memref_slice %arg4[%add3A_28, %dma_start3A_32] : memref<8192x128xf32, #tpu.memory_space<hbm>> -> memref<128x128xf32, #tpu.memory_space<hbm>>
    %dma_start3A_34 = arith.constant 0 : i32
    %dma_start3A_35 = tpu.memref_slice %arg4[%add3A_28, %dma_start3A_34] : memref<8192x128xf32, #tpu.memory_space<hbm>> -> memref<128x128xf32, #tpu.memory_space<hbm>>
    %dma_start3A_36 = arith.constant 0 : i32
    %dma_start3A_37 = arith.constant 0 : i32
    %dma_start3A_38 = tpu.memref_slice %arg6[%dma_start3A_36, %dma_start3A_37] : memref<256x128xf32, #tpu.memory_space<vmem>> -> memref<128x128xf32, #tpu.memory_space<vmem>>
    tpu.enqueue_dma source(%dma_start3A_38 : memref<128x128xf32, #tpu.memory_space<vmem>>) target(%dma_start3A_35 : memref<128x128xf32, #tpu.memory_space<hbm>>) target_semaphore(%arg9 : memref<!tpu.dma_semaphore, #tpu.memory_space<semaphore_mem>>)
    %dma_wait3A_39 = arith.constant 128 : i32
    %dma_wait3A_40 = arith.constant 0 : i32
    %dma_wait3A_41 = tpu.memref_slice %arg6[%dma_wait3A_39, %dma_wait3A_40] : memref<256x128xf32, #tpu.memory_space<vmem>> -> memref<128x128xf32, #tpu.memory_space<vmem>>
    %dma_wait3A_42 = arith.constant 128 : i32
    %dma_wait3A_43 = tpu.memref_slice %arg5[%dma_wait3A_42] : memref<256xi32, #tpu.memory_space<vmem>> -> memref<128xi32, #tpu.memory_space<vmem>>
    %dma_wait3A_44 = arith.constant 0 : i32
    %dma_wait3A_45 = arith.constant 0 : i32
    %dma_wait3A_46 = tpu.memref_slice %arg2[%dma_wait3A_44, %dma_wait3A_45] : memref<513x128xf32, #tpu.memory_space<hbm>> -> memref<513x128xf32, #tpu.memory_space<hbm>>
    tpu.wait_indirect_dma semaphore(%arg8 : memref<!tpu.dma_semaphore, #tpu.memory_space<semaphore_mem>>) src(%dma_wait3A_46 : memref<513x128xf32, #tpu.memory_space<hbm>>) dst(%dma_wait3A_41 : memref<128x128xf32, #tpu.memory_space<vmem>>)
    %add3A_47 = arith.constant 128 : i32
    %add3A_48 = arith.addi %mul3A_2, %add3A_47 : i32
    %dma_start3A_49 = arith.constant 128 : i32
    %dma_start3A_50 = arith.constant 0 : i32
    %dma_start3A_51 = tpu.memref_slice %arg6[%dma_start3A_49, %dma_start3A_50] : memref<256x128xf32, #tpu.memory_space<vmem>> -> memref<128x128xf32, #tpu.memory_space<vmem>>
    %dma_start3A_52 = arith.constant 0 : i32
    %dma_start3A_53 = tpu.memref_slice %arg4[%add3A_48, %dma_start3A_52] : memref<8192x128xf32, #tpu.memory_space<hbm>> -> memref<128x128xf32, #tpu.memory_space<hbm>>
    %dma_start3A_54 = arith.constant 0 : i32
    %dma_start3A_55 = tpu.memref_slice %arg4[%add3A_48, %dma_start3A_54] : memref<8192x128xf32, #tpu.memory_space<hbm>> -> memref<128x128xf32, #tpu.memory_space<hbm>>
    %dma_start3A_56 = arith.constant 128 : i32
    %dma_start3A_57 = arith.constant 0 : i32
    %dma_start3A_58 = tpu.memref_slice %arg6[%dma_start3A_56, %dma_start3A_57] : memref<256x128xf32, #tpu.memory_space<vmem>> -> memref<128x128xf32, #tpu.memory_space<vmem>>
    tpu.enqueue_dma source(%dma_start3A_58 : memref<128x128xf32, #tpu.memory_space<vmem>>) target(%dma_start3A_55 : memref<128x128xf32, #tpu.memory_space<hbm>>) target_semaphore(%arg10 : memref<!tpu.dma_semaphore, #tpu.memory_space<semaphore_mem>>)
    %dma_wait3A_59 = arith.constant 0 : i32
    %dma_wait3A_60 = arith.constant 0 : i32
    %dma_wait3A_61 = tpu.memref_slice %arg6[%dma_wait3A_59, %dma_wait3A_60] : memref<256x128xf32, #tpu.memory_space<vmem>> -> memref<128x128xf32, #tpu.memory_space<vmem>>
    %dma_wait3A_62 = arith.constant 0 : i32
    %dma_wait3A_63 = tpu.memref_slice %arg4[%add3A_28, %dma_wait3A_62] : memref<8192x128xf32, #tpu.memory_space<hbm>> -> memref<128x128xf32, #tpu.memory_space<hbm>>
    %dma_wait3A_64 = arith.constant 0 : i32
    %dma_wait3A_65 = tpu.memref_slice %arg4[%add3A_28, %dma_wait3A_64] : memref<8192x128xf32, #tpu.memory_space<hbm>> -> memref<128x128xf32, #tpu.memory_space<hbm>>
    %dma_wait3A_66 = arith.constant 0 : i32
    %dma_wait3A_67 = arith.constant 0 : i32
    %dma_wait3A_68 = tpu.memref_slice %arg6[%dma_wait3A_66, %dma_wait3A_67] : memref<256x128xf32, #tpu.memory_space<vmem>> -> memref<128x128xf32, #tpu.memory_space<vmem>>
    tpu.wait_dma2 semaphore(%arg9 : memref<!tpu.dma_semaphore, #tpu.memory_space<semaphore_mem>>) src(%dma_wait3A_68 : memref<128x128xf32, #tpu.memory_space<vmem>>) dst(%dma_wait3A_65 : memref<128x128xf32, #tpu.memory_space<hbm>>)
    %dma_wait3A_69 = arith.constant 128 : i32
    %dma_wait3A_70 = arith.constant 0 : i32
    %dma_wait3A_71 = tpu.memref_slice %arg6[%dma_wait3A_69, %dma_wait3A_70] : memref<256x128xf32, #tpu.memory_space<vmem>> -> memref<128x128xf32, #tpu.memory_space<vmem>>
    %dma_wait3A_72 = arith.constant 0 : i32
    %dma_wait3A_73 = tpu.memref_slice %arg4[%add3A_48, %dma_wait3A_72] : memref<8192x128xf32, #tpu.memory_space<hbm>> -> memref<128x128xf32, #tpu.memory_space<hbm>>
    %dma_wait3A_74 = arith.constant 0 : i32
    %dma_wait3A_75 = tpu.memref_slice %arg4[%add3A_48, %dma_wait3A_74] : memref<8192x128xf32, #tpu.memory_space<hbm>> -> memref<128x128xf32, #tpu.memory_space<hbm>>
    %dma_wait3A_76 = arith.constant 128 : i32
    %dma_wait3A_77 = arith.constant 0 : i32
    %dma_wait3A_78 = tpu.memref_slice %arg6[%dma_wait3A_76, %dma_wait3A_77] : memref<256x128xf32, #tpu.memory_space<vmem>> -> memref<128x128xf32, #tpu.memory_space<vmem>>
    tpu.wait_dma2 semaphore(%arg10 : memref<!tpu.dma_semaphore, #tpu.memory_space<semaphore_mem>>) src(%dma_wait3A_78 : memref<128x128xf32, #tpu.memory_space<vmem>>) dst(%dma_wait3A_75 : memref<128x128xf32, #tpu.memory_space<hbm>>)
    return
  }
}

#map = affine_map<(d0, d1) -> (0, 0)>
#map1 = affine_map<(d0, d1) -> (0)>
module attributes {stable_mosaic.version = 14 : i64} {
  func.func @gather_k(%arg0: i32, %arg1: i32, %arg2: memref<513x128xf32, #tpu.memory_space<hbm>>, %arg3: memref<16384xi32, #tpu.memory_space<hbm>>, %arg4: memref<8192x128xf32, #tpu.memory_space<hbm>>, %arg5: memref<256xi32, #tpu.memory_space<vmem>>, %arg6: memref<256x128xf32, #tpu.memory_space<vmem>>, %arg7: memref<!tpu.dma_semaphore, #tpu.memory_space<semaphore_mem>>, %arg8: memref<!tpu.dma_semaphore, #tpu.memory_space<semaphore_mem>>, %arg9: memref<!tpu.dma_semaphore, #tpu.memory_space<semaphore_mem>>, %arg10: memref<!tpu.dma_semaphore, #tpu.memory_space<semaphore_mem>>) attributes {dimension_semantics = [#tpu.dimension_semantics<core_parallel>, #tpu.dimension_semantics<subcore_parallel>], iteration_bounds = array<i64: 2, 16>, scalar_prefetch = 0 : i64, scratch_operands = 6 : i64, tpu.core_type = #tpu.core_type<sc_vector_subcore>, window_params = [{transform_indices = #map}, {transform_indices = #map1}, {transform_indices = #map}]} {
    %mul3A = arith.constant 2 : i32
    %mul3A_0 = arith.muli %arg1, %mul3A : i32
    %add3A = arith.addi %mul3A_0, %arg0 : i32
    %mul3A_1 = arith.constant 256 : i32
    %mul3A_2 = arith.muli %add3A, %mul3A_1 : i32
    %add3A_3 = arith.constant 8192 : i32
    %add3A_4 = arith.addi %add3A_3, %mul3A_2 : i32
    "tpu.region"() ({
      %run_scoped3A = tpu.sem_alloc : memref<!tpu.dma_semaphore, #tpu.memory_space<semaphore_mem>>
      %dma_start3A_79 = tpu.memref_slice %arg3[%add3A_4] : memref<16384xi32, #tpu.memory_space<hbm>> -> memref<256xi32, #tpu.memory_space<hbm>>
      %dma_start3A_80 = tpu.memref_slice %arg3[%add3A_4] : memref<16384xi32, #tpu.memory_space<hbm>> -> memref<256xi32, #tpu.memory_space<hbm>>
      tpu.enqueue_dma source(%dma_start3A_80 : memref<256xi32, #tpu.memory_space<hbm>>) target(%arg5 : memref<256xi32, #tpu.memory_space<vmem>>) target_semaphore(%run_scoped3A : memref<!tpu.dma_semaphore, #tpu.memory_space<semaphore_mem>>)
      %dma_wait3A_81 = tpu.memref_slice %arg3[%add3A_4] : memref<16384xi32, #tpu.memory_space<hbm>> -> memref<256xi32, #tpu.memory_space<hbm>>
      %dma_wait3A_82 = tpu.memref_slice %arg3[%add3A_4] : memref<16384xi32, #tpu.memory_space<hbm>> -> memref<256xi32, #tpu.memory_space<hbm>>
      tpu.wait_dma2 semaphore(%run_scoped3A : memref<!tpu.dma_semaphore, #tpu.memory_space<semaphore_mem>>) src(%dma_wait3A_82 : memref<256xi32, #tpu.memory_space<hbm>>) dst(%arg5 : memref<256xi32, #tpu.memory_space<vmem>>)
      tpu.yield
    }) : () -> ()
    %dma_start3A = arith.constant 0 : i32
    %dma_start3A_5 = arith.constant 0 : i32
    %dma_start3A_6 = tpu.memref_slice %arg6[%dma_start3A, %dma_start3A_5] : memref<256x128xf32, #tpu.memory_space<vmem>> -> memref<128x128xf32, #tpu.memory_space<vmem>>
    %dma_start3A_7 = arith.constant 0 : i32
    %dma_start3A_8 = tpu.memref_slice %arg5[%dma_start3A_7] : memref<256xi32, #tpu.memory_space<vmem>> -> memref<128xi32, #tpu.memory_space<vmem>>
    %dma_start3A_9 = arith.constant 0 : i32
    %dma_start3A_10 = arith.constant 0 : i32
    %dma_start3A_11 = tpu.memref_slice %arg2[%dma_start3A_9, %dma_start3A_10] : memref<513x128xf32, #tpu.memory_space<hbm>> -> memref<513x128xf32, #tpu.memory_space<hbm>>
    tpu.enqueue_indirect_dma source(%dma_start3A_11 : memref<513x128xf32, #tpu.memory_space<hbm>>) target(%dma_start3A_6 : memref<128x128xf32, #tpu.memory_space<vmem>>) offsets(%dma_start3A_8 : memref<128xi32, #tpu.memory_space<vmem>>) semaphore(%arg7 : memref<!tpu.dma_semaphore, #tpu.memory_space<semaphore_mem>>)
    %dma_start3A_12 = arith.constant 128 : i32
    %dma_start3A_13 = arith.constant 0 : i32
    %dma_start3A_14 = tpu.memref_slice %arg6[%dma_start3A_12, %dma_start3A_13] : memref<256x128xf32, #tpu.memory_space<vmem>> -> memref<128x128xf32, #tpu.memory_space<vmem>>
    %dma_start3A_15 = arith.constant 128 : i32
    %dma_start3A_16 = tpu.memref_slice %arg5[%dma_start3A_15] : memref<256xi32, #tpu.memory_space<vmem>> -> memref<128xi32, #tpu.memory_space<vmem>>
    %dma_start3A_17 = arith.constant 0 : i32
    %dma_start3A_18 = arith.constant 0 : i32
    %dma_start3A_19 = tpu.memref_slice %arg2[%dma_start3A_17, %dma_start3A_18] : memref<513x128xf32, #tpu.memory_space<hbm>> -> memref<513x128xf32, #tpu.memory_space<hbm>>
    tpu.enqueue_indirect_dma source(%dma_start3A_19 : memref<513x128xf32, #tpu.memory_space<hbm>>) target(%dma_start3A_14 : memref<128x128xf32, #tpu.memory_space<vmem>>) offsets(%dma_start3A_16 : memref<128xi32, #tpu.memory_space<vmem>>) semaphore(%arg8 : memref<!tpu.dma_semaphore, #tpu.memory_space<semaphore_mem>>)
    %dma_wait3A = arith.constant 0 : i32
    %dma_wait3A_20 = arith.constant 0 : i32
    %dma_wait3A_21 = tpu.memref_slice %arg6[%dma_wait3A, %dma_wait3A_20] : memref<256x128xf32, #tpu.memory_space<vmem>> -> memref<128x128xf32, #tpu.memory_space<vmem>>
    %dma_wait3A_22 = arith.constant 0 : i32
    %dma_wait3A_23 = tpu.memref_slice %arg5[%dma_wait3A_22] : memref<256xi32, #tpu.memory_space<vmem>> -> memref<128xi32, #tpu.memory_space<vmem>>
    %dma_wait3A_24 = arith.constant 0 : i32
    %dma_wait3A_25 = arith.constant 0 : i32
    %dma_wait3A_26 = tpu.memref_slice %arg2[%dma_wait3A_24, %dma_wait3A_25] : memref<513x128xf32, #tpu.memory_space<hbm>> -> memref<513x128xf32, #tpu.memory_space<hbm>>
    tpu.wait_indirect_dma semaphore(%arg7 : memref<!tpu.dma_semaphore, #tpu.memory_space<semaphore_mem>>) src(%dma_wait3A_26 : memref<513x128xf32, #tpu.memory_space<hbm>>) dst(%dma_wait3A_21 : memref<128x128xf32, #tpu.memory_space<vmem>>)
    %add3A_27 = arith.constant 0 : i32
    %add3A_28 = arith.addi %mul3A_2, %add3A_27 : i32
    %dma_start3A_29 = arith.constant 0 : i32
    %dma_start3A_30 = arith.constant 0 : i32
    %dma_start3A_31 = tpu.memref_slice %arg6[%dma_start3A_29, %dma_start3A_30] : memref<256x128xf32, #tpu.memory_space<vmem>> -> memref<128x128xf32, #tpu.memory_space<vmem>>
    %dma_start3A_32 = arith.constant 0 : i32
    %dma_start3A_33 = tpu.memref_slice %arg4[%add3A_28, %dma_start3A_32] : memref<8192x128xf32, #tpu.memory_space<hbm>> -> memref<128x128xf32, #tpu.memory_space<hbm>>
    %dma_start3A_34 = arith.constant 0 : i32
    %dma_start3A_35 = tpu.memref_slice %arg4[%add3A_28, %dma_start3A_34] : memref<8192x128xf32, #tpu.memory_space<hbm>> -> memref<128x128xf32, #tpu.memory_space<hbm>>
    %dma_start3A_36 = arith.constant 0 : i32
    %dma_start3A_37 = arith.constant 0 : i32
    %dma_start3A_38 = tpu.memref_slice %arg6[%dma_start3A_36, %dma_start3A_37] : memref<256x128xf32, #tpu.memory_space<vmem>> -> memref<128x128xf32, #tpu.memory_space<vmem>>
    tpu.enqueue_dma source(%dma_start3A_38 : memref<128x128xf32, #tpu.memory_space<vmem>>) target(%dma_start3A_35 : memref<128x128xf32, #tpu.memory_space<hbm>>) target_semaphore(%arg9 : memref<!tpu.dma_semaphore, #tpu.memory_space<semaphore_mem>>)
    %dma_wait3A_39 = arith.constant 128 : i32
    %dma_wait3A_40 = arith.constant 0 : i32
    %dma_wait3A_41 = tpu.memref_slice %arg6[%dma_wait3A_39, %dma_wait3A_40] : memref<256x128xf32, #tpu.memory_space<vmem>> -> memref<128x128xf32, #tpu.memory_space<vmem>>
    %dma_wait3A_42 = arith.constant 128 : i32
    %dma_wait3A_43 = tpu.memref_slice %arg5[%dma_wait3A_42] : memref<256xi32, #tpu.memory_space<vmem>> -> memref<128xi32, #tpu.memory_space<vmem>>
    %dma_wait3A_44 = arith.constant 0 : i32
    %dma_wait3A_45 = arith.constant 0 : i32
    %dma_wait3A_46 = tpu.memref_slice %arg2[%dma_wait3A_44, %dma_wait3A_45] : memref<513x128xf32, #tpu.memory_space<hbm>> -> memref<513x128xf32, #tpu.memory_space<hbm>>
    tpu.wait_indirect_dma semaphore(%arg8 : memref<!tpu.dma_semaphore, #tpu.memory_space<semaphore_mem>>) src(%dma_wait3A_46 : memref<513x128xf32, #tpu.memory_space<hbm>>) dst(%dma_wait3A_41 : memref<128x128xf32, #tpu.memory_space<vmem>>)
    %add3A_47 = arith.constant 128 : i32
    %add3A_48 = arith.addi %mul3A_2, %add3A_47 : i32
    %dma_start3A_49 = arith.constant 128 : i32
    %dma_start3A_50 = arith.constant 0 : i32
    %dma_start3A_51 = tpu.memref_slice %arg6[%dma_start3A_49, %dma_start3A_50] : memref<256x128xf32, #tpu.memory_space<vmem>> -> memref<128x128xf32, #tpu.memory_space<vmem>>
    %dma_start3A_52 = arith.constant 0 : i32
    %dma_start3A_53 = tpu.memref_slice %arg4[%add3A_48, %dma_start3A_52] : memref<8192x128xf32, #tpu.memory_space<hbm>> -> memref<128x128xf32, #tpu.memory_space<hbm>>
    %dma_start3A_54 = arith.constant 0 : i32
    %dma_start3A_55 = tpu.memref_slice %arg4[%add3A_48, %dma_start3A_54] : memref<8192x128xf32, #tpu.memory_space<hbm>> -> memref<128x128xf32, #tpu.memory_space<hbm>>
    %dma_start3A_56 = arith.constant 128 : i32
    %dma_start3A_57 = arith.constant 0 : i32
    %dma_start3A_58 = tpu.memref_slice %arg6[%dma_start3A_56, %dma_start3A_57] : memref<256x128xf32, #tpu.memory_space<vmem>> -> memref<128x128xf32, #tpu.memory_space<vmem>>
    tpu.enqueue_dma source(%dma_start3A_58 : memref<128x128xf32, #tpu.memory_space<vmem>>) target(%dma_start3A_55 : memref<128x128xf32, #tpu.memory_space<hbm>>) target_semaphore(%arg10 : memref<!tpu.dma_semaphore, #tpu.memory_space<semaphore_mem>>)
    %dma_wait3A_59 = arith.constant 0 : i32
    %dma_wait3A_60 = arith.constant 0 : i32
    %dma_wait3A_61 = tpu.memref_slice %arg6[%dma_wait3A_59, %dma_wait3A_60] : memref<256x128xf32, #tpu.memory_space<vmem>> -> memref<128x128xf32, #tpu.memory_space<vmem>>
    %dma_wait3A_62 = arith.constant 0 : i32
    %dma_wait3A_63 = tpu.memref_slice %arg4[%add3A_28, %dma_wait3A_62] : memref<8192x128xf32, #tpu.memory_space<hbm>> -> memref<128x128xf32, #tpu.memory_space<hbm>>
    %dma_wait3A_64 = arith.constant 0 : i32
    %dma_wait3A_65 = tpu.memref_slice %arg4[%add3A_28, %dma_wait3A_64] : memref<8192x128xf32, #tpu.memory_space<hbm>> -> memref<128x128xf32, #tpu.memory_space<hbm>>
    %dma_wait3A_66 = arith.constant 0 : i32
    %dma_wait3A_67 = arith.constant 0 : i32
    %dma_wait3A_68 = tpu.memref_slice %arg6[%dma_wait3A_66, %dma_wait3A_67] : memref<256x128xf32, #tpu.memory_space<vmem>> -> memref<128x128xf32, #tpu.memory_space<vmem>>
    tpu.wait_dma2 semaphore(%arg9 : memref<!tpu.dma_semaphore, #tpu.memory_space<semaphore_mem>>) src(%dma_wait3A_68 : memref<128x128xf32, #tpu.memory_space<vmem>>) dst(%dma_wait3A_65 : memref<128x128xf32, #tpu.memory_space<hbm>>)
    %dma_wait3A_69 = arith.constant 128 : i32
    %dma_wait3A_70 = arith.constant 0 : i32
    %dma_wait3A_71 = tpu.memref_slice %arg6[%dma_wait3A_69, %dma_wait3A_70] : memref<256x128xf32, #tpu.memory_space<vmem>> -> memref<128x128xf32, #tpu.memory_space<vmem>>
    %dma_wait3A_72 = arith.constant 0 : i32
    %dma_wait3A_73 = tpu.memref_slice %arg4[%add3A_48, %dma_wait3A_72] : memref<8192x128xf32, #tpu.memory_space<hbm>> -> memref<128x128xf32, #tpu.memory_space<hbm>>
    %dma_wait3A_74 = arith.constant 0 : i32
    %dma_wait3A_75 = tpu.memref_slice %arg4[%add3A_48, %dma_wait3A_74] : memref<8192x128xf32, #tpu.memory_space<hbm>> -> memref<128x128xf32, #tpu.memory_space<hbm>>
    %dma_wait3A_76 = arith.constant 128 : i32
    %dma_wait3A_77 = arith.constant 0 : i32
    %dma_wait3A_78 = tpu.memref_slice %arg6[%dma_wait3A_76, %dma_wait3A_77] : memref<256x128xf32, #tpu.memory_space<vmem>> -> memref<128x128xf32, #tpu.memory_space<vmem>>
    tpu.wait_dma2 semaphore(%arg10 : memref<!tpu.dma_semaphore, #tpu.memory_space<semaphore_mem>>) src(%dma_wait3A_78 : memref<128x128xf32, #tpu.memory_space<vmem>>) dst(%dma_wait3A_75 : memref<128x128xf32, #tpu.memory_space<hbm>>)
    return
  }
}

module attributes {stable_mosaic.version = 14 : i64} {
  func.func @_mlp_body(%arg0: i32, %arg1: memref<16384x508xf32, #tpu.memory_space<any>>, %arg2: memref<4096x128xf32, #tpu.memory_space<vmem>>, %arg3: memref<4096x64xf32, #tpu.memory_space<vmem>>, %arg4: memref<128x128xf32, #tpu.memory_space<vmem>>, %arg5: memref<1x128xf32, #tpu.memory_space<vmem>>, %arg6: memref<128x64xf32, #tpu.memory_space<vmem>>, %arg7: memref<1x64xf32, #tpu.memory_space<vmem>>, %arg8: memref<64x508xf32, #tpu.memory_space<vmem>>, %arg9: memref<1x508xf32, #tpu.memory_space<vmem>>, %arg10: memref<4096x508xf32, #tpu.memory_space<vmem>>) attributes {dimension_semantics = [#tpu.dimension_semantics<arbitrary>], iteration_bounds = array<i64: 2>, scalar_prefetch = 0 : i64, scratch_operands = 0 : i64, tpu.core_type = #tpu.core_type<tc>, window_params = [{}, {transform_indices = @transform_1, window_bounds = array<i64: 4096, 128>}, {transform_indices = @transform_2, window_bounds = array<i64: 4096, 64>}, {pipeline_mode = #tpu.pipeline_mode<synchronous>, transform_indices = @transform_3, window_bounds = array<i64: 128, 128>}, {pipeline_mode = #tpu.pipeline_mode<synchronous>, transform_indices = @transform_4, window_bounds = array<i64: 1, 128>}, {pipeline_mode = #tpu.pipeline_mode<synchronous>, transform_indices = @transform_5, window_bounds = array<i64: 128, 64>}, {pipeline_mode = #tpu.pipeline_mode<synchronous>, transform_indices = @transform_6, window_bounds = array<i64: 1, 64>}, {pipeline_mode = #tpu.pipeline_mode<synchronous>, transform_indices = @transform_7, window_bounds = array<i64: 64, 508>}, {pipeline_mode = #tpu.pipeline_mode<synchronous>, transform_indices = @transform_8, window_bounds = array<i64: 1, 508>}, {transform_indices = @transform_9, window_bounds = array<i64: 4096, 508>}]} {
    %get3A = arith.constant 0 : index
    %get3A_0 = arith.constant 0 : index
    %get3A_1 = vector.load %arg2[%get3A, %get3A_0] : memref<4096x128xf32, #tpu.memory_space<vmem>>, vector<4096x64xf32>
    %get3A_2 = arith.constant 0 : index
    %get3A_3 = arith.constant 0 : index
    %get3A_4 = vector.load %arg3[%get3A_2, %get3A_3] : memref<4096x64xf32, #tpu.memory_space<vmem>>, vector<4096x64xf32>
    %concatenate3A = tpu.concatenate %get3A_1, %get3A_4 in 1 : vector<4096x64xf32>, vector<4096x64xf32> -> vector<4096x128xf32>
    %get3A_5 = arith.constant 0 : index
    %get3A_6 = arith.constant 0 : index
    %get3A_7 = vector.load %arg4[%get3A_5, %get3A_6] : memref<128x128xf32, #tpu.memory_space<vmem>>, vector<128x128xf32>
    %dot_general3A = arith.constant dense<0.000000e+00> : vector<4096x128xf32>
    %dot_general3A_8 = tpu.matmul %concatenate3A, %get3A_7, %dot_general3A {dimension_numbers = #tpu.dot_dimension_numbers<[1], [0], [0], [1], [0, 0, 1, 1], [], []>, transpose_lhs_hint = false} : vector<4096x128xf32>, vector<128x128xf32>, vector<4096x128xf32> -> vector<4096x128xf32>
    %get3A_9 = arith.constant 0 : index
    %get3A_10 = arith.constant 0 : index
    %get3A_11 = vector.load %arg5[%get3A_9, %get3A_10] : memref<1x128xf32, #tpu.memory_space<vmem>>, vector<1x128xf32>
    %add3A = vector.broadcast %get3A_11 : vector<1x128xf32> to vector<4096x128xf32>
    %add3A_12 = arith.addf %dot_general3A_8, %add3A : vector<4096x128xf32>
    %max3A = arith.constant 0.000000e+00 : f32
    %max3A_13 = vector.broadcast %max3A : f32 to vector<4096x128xf32>
    %max3A_14 = arith.maximumf %add3A_12, %max3A_13 : vector<4096x128xf32>
    %get3A_15 = arith.constant 0 : index
    %get3A_16 = arith.constant 0 : index
    %get3A_17 = vector.load %arg6[%get3A_15, %get3A_16] : memref<128x64xf32, #tpu.memory_space<vmem>>, vector<128x64xf32>
    %dot_general3A_18 = arith.constant dense<0.000000e+00> : vector<4096x64xf32>
    %dot_general3A_19 = tpu.matmul %max3A_14, %get3A_17, %dot_general3A_18 {dimension_numbers = #tpu.dot_dimension_numbers<[1], [0], [0], [1], [0, 0, 1, 1], [], []>, transpose_lhs_hint = false} : vector<4096x128xf32>, vector<128x64xf32>, vector<4096x64xf32> -> vector<4096x64xf32>
    %get3A_20 = arith.constant 0 : index
    %get3A_21 = arith.constant 0 : index
    %get3A_22 = vector.load %arg7[%get3A_20, %get3A_21] : memref<1x64xf32, #tpu.memory_space<vmem>>, vector<1x64xf32>
    %add3A_23 = vector.broadcast %get3A_22 : vector<1x64xf32> to vector<4096x64xf32>
    %add3A_24 = arith.addf %dot_general3A_19, %add3A_23 : vector<4096x64xf32>
    %max3A_25 = arith.constant 0.000000e+00 : f32
    %max3A_26 = vector.broadcast %max3A_25 : f32 to vector<4096x64xf32>
    %max3A_27 = arith.maximumf %add3A_24, %max3A_26 : vector<4096x64xf32>
    %get3A_28 = arith.constant 0 : index
    %get3A_29 = arith.constant 0 : index
    %get3A_30 = vector.load %arg8[%get3A_28, %get3A_29] : memref<64x508xf32, #tpu.memory_space<vmem>>, vector<64x508xf32>
    %dot_general3A_31 = arith.constant dense<0.000000e+00> : vector<4096x508xf32>
    %dot_general3A_32 = tpu.matmul %max3A_27, %get3A_30, %dot_general3A_31 {dimension_numbers = #tpu.dot_dimension_numbers<[1], [0], [0], [1], [0, 0, 1, 1], [], []>, transpose_lhs_hint = false} : vector<4096x64xf32>, vector<64x508xf32>, vector<4096x508xf32> -> vector<4096x508xf32>
    %get3A_33 = arith.constant 0 : index
    %get3A_34 = arith.constant 0 : index
    %get3A_35 = vector.load %arg9[%get3A_33, %get3A_34] : memref<1x508xf32, #tpu.memory_space<vmem>>, vector<1x508xf32>
    %add3A_36 = vector.broadcast %get3A_35 : vector<1x508xf32> to vector<4096x508xf32>
    %add3A_37 = arith.addf %dot_general3A_32, %add3A_36 : vector<4096x508xf32>
    %reduce_max3A = arith.constant dense<0xFF800000> : vector<4096xf32>
    %reduce_max3A_38 = vector.multi_reduction <maximumf>, %add3A_37, %reduce_max3A [1] : vector<4096x508xf32> to vector<4096xf32>
    %broadcast_in_dim3A = vector.shape_cast %reduce_max3A_38 : vector<4096xf32> to vector<4096x1xf32>
    %sub3A = vector.broadcast %broadcast_in_dim3A : vector<4096x1xf32> to vector<4096x508xf32>
    %sub3A_39 = arith.subf %add3A_37, %sub3A : vector<4096x508xf32>
    %exp3A = math.exp %sub3A_39 : vector<4096x508xf32>
    %reduce_sum3A = arith.constant dense<0.000000e+00> : vector<4096xf32>
    %reduce_sum3A_40 = vector.multi_reduction <add>, %exp3A, %reduce_sum3A [1] : vector<4096x508xf32> to vector<4096xf32>
    %broadcast_in_dim3A_41 = vector.shape_cast %reduce_sum3A_40 : vector<4096xf32> to vector<4096x1xf32>
    %div3A = vector.broadcast %broadcast_in_dim3A_41 : vector<4096x1xf32> to vector<4096x508xf32>
    %div3A_42 = arith.divf %exp3A, %div3A : vector<4096x508xf32>
    %swap3A = arith.constant 0 : index
    %swap3A_43 = arith.constant 0 : index
    %swap3A_44 = vector.load %arg10[%swap3A, %swap3A_43] : memref<4096x508xf32, #tpu.memory_space<vmem>>, vector<4096x508xf32>
    tpu.vector_store %arg10[%swap3A, %swap3A_43], %div3A_42 {strides = array<i32>} : memref<4096x508xf32, #tpu.memory_space<vmem>>, vector<4096x508xf32>,
    return
  }
  func.func @transform_1(%arg0: i32) -> (i32, i32) {
    %c0_i32 = arith.constant 0 : i32
    %c0_i32_0 = arith.constant 0 : i32
    return %arg0, %c0_i32 : i32, i32
  }
  func.func @transform_2(%arg0: i32) -> (i32, i32) {
    %add3A = arith.constant 2 : i32
    %add3A_0 = arith.addi %arg0, %add3A : i32
    %c0_i32 = arith.constant 0 : i32
    %c0_i32_1 = arith.constant 0 : i32
    return %add3A_0, %c0_i32 : i32, i32
  }
  func.func @transform_3(%arg0: i32) -> (i32, i32) {
    %c0_i32 = arith.constant 0 : i32
    %c0_i32_0 = arith.constant 0 : i32
    %c0_i32_1 = arith.constant 0 : i32
    return %c0_i32, %c0_i32_0 : i32, i32
  }
  func.func @transform_4(%arg0: i32) -> (i32, i32) {
    %c0_i32 = arith.constant 0 : i32
    %c0_i32_0 = arith.constant 0 : i32
    %c0_i32_1 = arith.constant 0 : i32
    return %c0_i32, %c0_i32_0 : i32, i32
  }
  func.func @transform_5(%arg0: i32) -> (i32, i32) {
    %c0_i32 = arith.constant 0 : i32
    %c0_i32_0 = arith.constant 0 : i32
    %c0_i32_1 = arith.constant 0 : i32
    return %c0_i32, %c0_i32_0 : i32, i32
  }
  func.func @transform_6(%arg0: i32) -> (i32, i32) {
    %c0_i32 = arith.constant 0 : i32
    %c0_i32_0 = arith.constant 0 : i32
    %c0_i32_1 = arith.constant 0 : i32
    return %c0_i32, %c0_i32_0 : i32, i32
  }
  func.func @transform_7(%arg0: i32) -> (i32, i32) {
    %c0_i32 = arith.constant 0 : i32
    %c0_i32_0 = arith.constant 0 : i32
    %c0_i32_1 = arith.constant 0 : i32
    return %c0_i32, %c0_i32_0 : i32, i32
  }
  func.func @transform_8(%arg0: i32) -> (i32, i32) {
    %c0_i32 = arith.constant 0 : i32
    %c0_i32_0 = arith.constant 0 : i32
    %c0_i32_1 = arith.constant 0 : i32
    return %c0_i32, %c0_i32_0 : i32, i32
  }
  func.func @transform_9(%arg0: i32) -> (i32, i32) {
    %add3A = arith.constant 2 : i32
    %add3A_0 = arith.addi %arg0, %add3A : i32
    %c0_i32 = arith.constant 0 : i32
    %c0_i32_1 = arith.constant 0 : i32
    return %add3A_0, %c0_i32 : i32, i32
  }
}

module attributes {stable_mosaic.version = 14 : i64} {
  func.func @body0(%arg0: i32, %arg1: memref<4096x128xf32, #tpu.memory_space<vmem>>, %arg2: memref<4096x64xf32, #tpu.memory_space<vmem>>, %arg3: memref<128x128xf32, #tpu.memory_space<vmem>>, %arg4: memref<1x128xf32, #tpu.memory_space<vmem>>, %arg5: memref<128x64xf32, #tpu.memory_space<vmem>>, %arg6: memref<1x64xf32, #tpu.memory_space<vmem>>, %arg7: memref<64x508xf32, #tpu.memory_space<vmem>>, %arg8: memref<1x508xf32, #tpu.memory_space<vmem>>, %arg9: memref<4096x508xf32, #tpu.memory_space<vmem>>) attributes {dimension_semantics = [#tpu.dimension_semantics<arbitrary>], iteration_bounds = array<i64: 2>, scalar_prefetch = 0 : i64, scratch_operands = 0 : i64, tpu.core_type = #tpu.core_type<tc>, window_params = [{transform_indices = @transform_0, window_bounds = array<i64: 4096, 128>}, {transform_indices = @transform_1, window_bounds = array<i64: 4096, 64>}, {pipeline_mode = #tpu.pipeline_mode<synchronous>, transform_indices = @transform_2, window_bounds = array<i64: 128, 128>}, {pipeline_mode = #tpu.pipeline_mode<synchronous>, transform_indices = @transform_3, window_bounds = array<i64: 1, 128>}, {pipeline_mode = #tpu.pipeline_mode<synchronous>, transform_indices = @transform_4, window_bounds = array<i64: 128, 64>}, {pipeline_mode = #tpu.pipeline_mode<synchronous>, transform_indices = @transform_5, window_bounds = array<i64: 1, 64>}, {pipeline_mode = #tpu.pipeline_mode<synchronous>, transform_indices = @transform_6, window_bounds = array<i64: 64, 508>}, {pipeline_mode = #tpu.pipeline_mode<synchronous>, transform_indices = @transform_7, window_bounds = array<i64: 1, 508>}, {transform_indices = @transform_8, window_bounds = array<i64: 4096, 508>}]} {
    %get3A = arith.constant 0 : index
    %get3A_0 = arith.constant 0 : index
    %get3A_1 = vector.load %arg1[%get3A, %get3A_0] : memref<4096x128xf32, #tpu.memory_space<vmem>>, vector<4096x64xf32>
    %get3A_2 = arith.constant 0 : index
    %get3A_3 = arith.constant 0 : index
    %get3A_4 = vector.load %arg2[%get3A_2, %get3A_3] : memref<4096x64xf32, #tpu.memory_space<vmem>>, vector<4096x64xf32>
    %concatenate3A = tpu.concatenate %get3A_1, %get3A_4 in 1 : vector<4096x64xf32>, vector<4096x64xf32> -> vector<4096x128xf32>
    %get3A_5 = arith.constant 0 : index
    %get3A_6 = arith.constant 0 : index
    %get3A_7 = vector.load %arg3[%get3A_5, %get3A_6] : memref<128x128xf32, #tpu.memory_space<vmem>>, vector<128x128xf32>
    %dot_general3A = arith.constant dense<0.000000e+00> : vector<4096x128xf32>
    %dot_general3A_8 = tpu.matmul %concatenate3A, %get3A_7, %dot_general3A {dimension_numbers = #tpu.dot_dimension_numbers<[1], [0], [0], [1], [0, 0, 1, 1], [], []>, transpose_lhs_hint = false} : vector<4096x128xf32>, vector<128x128xf32>, vector<4096x128xf32> -> vector<4096x128xf32>
    %get3A_9 = arith.constant 0 : index
    %get3A_10 = arith.constant 0 : index
    %get3A_11 = vector.load %arg4[%get3A_9, %get3A_10] : memref<1x128xf32, #tpu.memory_space<vmem>>, vector<1x128xf32>
    %add3A = vector.broadcast %get3A_11 : vector<1x128xf32> to vector<4096x128xf32>
    %add3A_12 = arith.addf %dot_general3A_8, %add3A : vector<4096x128xf32>
    %max3A = arith.constant 0.000000e+00 : f32
    %max3A_13 = vector.broadcast %max3A : f32 to vector<4096x128xf32>
    %max3A_14 = arith.maximumf %add3A_12, %max3A_13 : vector<4096x128xf32>
    %get3A_15 = arith.constant 0 : index
    %get3A_16 = arith.constant 0 : index
    %get3A_17 = vector.load %arg5[%get3A_15, %get3A_16] : memref<128x64xf32, #tpu.memory_space<vmem>>, vector<128x64xf32>
    %dot_general3A_18 = arith.constant dense<0.000000e+00> : vector<4096x64xf32>
    %dot_general3A_19 = tpu.matmul %max3A_14, %get3A_17, %dot_general3A_18 {dimension_numbers = #tpu.dot_dimension_numbers<[1], [0], [0], [1], [0, 0, 1, 1], [], []>, transpose_lhs_hint = false} : vector<4096x128xf32>, vector<128x64xf32>, vector<4096x64xf32> -> vector<4096x64xf32>
    %get3A_20 = arith.constant 0 : index
    %get3A_21 = arith.constant 0 : index
    %get3A_22 = vector.load %arg6[%get3A_20, %get3A_21] : memref<1x64xf32, #tpu.memory_space<vmem>>, vector<1x64xf32>
    %add3A_23 = vector.broadcast %get3A_22 : vector<1x64xf32> to vector<4096x64xf32>
    %add3A_24 = arith.addf %dot_general3A_19, %add3A_23 : vector<4096x64xf32>
    %max3A_25 = arith.constant 0.000000e+00 : f32
    %max3A_26 = vector.broadcast %max3A_25 : f32 to vector<4096x64xf32>
    %max3A_27 = arith.maximumf %add3A_24, %max3A_26 : vector<4096x64xf32>
    %get3A_28 = arith.constant 0 : index
    %get3A_29 = arith.constant 0 : index
    %get3A_30 = vector.load %arg7[%get3A_28, %get3A_29] : memref<64x508xf32, #tpu.memory_space<vmem>>, vector<64x508xf32>
    %dot_general3A_31 = arith.constant dense<0.000000e+00> : vector<4096x508xf32>
    %dot_general3A_32 = tpu.matmul %max3A_27, %get3A_30, %dot_general3A_31 {dimension_numbers = #tpu.dot_dimension_numbers<[1], [0], [0], [1], [0, 0, 1, 1], [], []>, transpose_lhs_hint = false} : vector<4096x64xf32>, vector<64x508xf32>, vector<4096x508xf32> -> vector<4096x508xf32>
    %get3A_33 = arith.constant 0 : index
    %get3A_34 = arith.constant 0 : index
    %get3A_35 = vector.load %arg8[%get3A_33, %get3A_34] : memref<1x508xf32, #tpu.memory_space<vmem>>, vector<1x508xf32>
    %add3A_36 = vector.broadcast %get3A_35 : vector<1x508xf32> to vector<4096x508xf32>
    %add3A_37 = arith.addf %dot_general3A_32, %add3A_36 : vector<4096x508xf32>
    %reduce_max3A = arith.constant dense<0xFF800000> : vector<4096xf32>
    %reduce_max3A_38 = vector.multi_reduction <maximumf>, %add3A_37, %reduce_max3A [1] : vector<4096x508xf32> to vector<4096xf32>
    %broadcast_in_dim3A = vector.shape_cast %reduce_max3A_38 : vector<4096xf32> to vector<4096x1xf32>
    %sub3A = vector.broadcast %broadcast_in_dim3A : vector<4096x1xf32> to vector<4096x508xf32>
    %sub3A_39 = arith.subf %add3A_37, %sub3A : vector<4096x508xf32>
    %exp3A = math.exp %sub3A_39 : vector<4096x508xf32>
    %reduce_sum3A = arith.constant dense<0.000000e+00> : vector<4096xf32>
    %reduce_sum3A_40 = vector.multi_reduction <add>, %exp3A, %reduce_sum3A [1] : vector<4096x508xf32> to vector<4096xf32>
    %broadcast_in_dim3A_41 = vector.shape_cast %reduce_sum3A_40 : vector<4096xf32> to vector<4096x1xf32>
    %div3A = vector.broadcast %broadcast_in_dim3A_41 : vector<4096x1xf32> to vector<4096x508xf32>
    %div3A_42 = arith.divf %exp3A, %div3A : vector<4096x508xf32>
    %swap3A = arith.constant 0 : index
    %swap3A_43 = arith.constant 0 : index
    %swap3A_44 = vector.load %arg9[%swap3A, %swap3A_43] : memref<4096x508xf32, #tpu.memory_space<vmem>>, vector<4096x508xf32>
    tpu.vector_store %arg9[%swap3A, %swap3A_43], %div3A_42 {strides = array<i32>} : memref<4096x508xf32, #tpu.memory_space<vmem>>, vector<4096x508xf32>,
    return
  }
  func.func @transform_0(%arg0: i32) -> (i32, i32) {
    %c0_i32 = arith.constant 0 : i32
    %c0_i32_0 = arith.constant 0 : i32
    return %arg0, %c0_i32 : i32, i32
  }
  func.func @transform_1(%arg0: i32) -> (i32, i32) {
    %add3A = arith.constant 0 : i32
    %add3A_0 = arith.addi %arg0, %add3A : i32
    %c0_i32 = arith.constant 0 : i32
    %c0_i32_1 = arith.constant 0 : i32
    return %add3A_0, %c0_i32 : i32, i32
  }
  func.func @transform_2(%arg0: i32) -> (i32, i32) {
    %c0_i32 = arith.constant 0 : i32
    %c0_i32_0 = arith.constant 0 : i32
    %c0_i32_1 = arith.constant 0 : i32
    return %c0_i32, %c0_i32_0 : i32, i32
  }
  func.func @transform_3(%arg0: i32) -> (i32, i32) {
    %c0_i32 = arith.constant 0 : i32
    %c0_i32_0 = arith.constant 0 : i32
    %c0_i32_1 = arith.constant 0 : i32
    return %c0_i32, %c0_i32_0 : i32, i32
  }
  func.func @transform_4(%arg0: i32) -> (i32, i32) {
    %c0_i32 = arith.constant 0 : i32
    %c0_i32_0 = arith.constant 0 : i32
    %c0_i32_1 = arith.constant 0 : i32
    return %c0_i32, %c0_i32_0 : i32, i32
  }
  func.func @transform_5(%arg0: i32) -> (i32, i32) {
    %c0_i32 = arith.constant 0 : i32
    %c0_i32_0 = arith.constant 0 : i32
    %c0_i32_1 = arith.constant 0 : i32
    return %c0_i32, %c0_i32_0 : i32, i32
  }
  func.func @transform_6(%arg0: i32) -> (i32, i32) {
    %c0_i32 = arith.constant 0 : i32
    %c0_i32_0 = arith.constant 0 : i32
    %c0_i32_1 = arith.constant 0 : i32
    return %c0_i32, %c0_i32_0 : i32, i32
  }
  func.func @transform_7(%arg0: i32) -> (i32, i32) {
    %c0_i32 = arith.constant 0 : i32
    %c0_i32_0 = arith.constant 0 : i32
    %c0_i32_1 = arith.constant 0 : i32
    return %c0_i32, %c0_i32_0 : i32, i32
  }
  func.func @transform_8(%arg0: i32) -> (i32, i32) {
    %add3A = arith.constant 0 : i32
    %add3A_0 = arith.addi %arg0, %add3A : i32
    %c0_i32 = arith.constant 0 : i32
    %c0_i32_1 = arith.constant 0 : i32
    return %add3A_0, %c0_i32 : i32, i32
  }
}

</mosaic_0001>

<sc_bundles>
// kernel: kernel.6.cloned.1.call-start
scs
__scs_entry_jumppad:
0x0: {  	(pc) =	sbr.rel $0x88, $3  }
0x1: {  	(tag) =	ssettag $0x0;
	lr =	simm.s32 $0x1  }
0x2: {  	[smem:$0x3F98] =	sst lr;
	_ =	strace $0xD0000000  }
0x3: {  	_ = 	snop  }
0x4: {  	_ = 	snop  }
0x5: {  	_ = 	snop  }
0x6: {  	_ = 	snop  }
0x7: {  	_ = 	snop  }
__scs_overlays_trampoline_lowered:
0x8: {  	[smem:$0x3FA7] =	sst s0  }
0x9: {  	[smem:$0x3FA8] =	sst s1  }
0xa: {  	[smem:$0x3FA9] =	sst s2  }
0xb: {  	[smem:$0x3FAA] =	sst s3  }
0xc: {  	[smem:$0x3FAB] =	sst s4  }
0xd: {  	[smem:$0x3FAC] =	sst s5  }
0xe: {  	[smem:$0x3FAD] =	sst s6  }
0xf: {  	[smem:$0x3FAE] =	sst s7  }
0x10: {  	[smem:$0x3FAF] =	sst s8  }
0x11: {  	[smem:$0x3FB0] =	sst s9;
	s0 =	simm.s32 @!p0 $0x0  }
0x12: {  	s1 =	sld [smem:$0x3F96];
	s0 =	simm.s32 @p0 $0x1  }
0x13: {  	[smem:$0x3FB1] =	sst s0;
	s0 =	simm.s32 @!p1 $0x0  }
0x14: {  	s2 =	sld [smem:$0x3F95];
	s0 =	simm.s32 @p1 $0x1  }
0x15: {  	[smem:$0x3FB2] =	sst s0;
	s0 =	simm.s32 @!p2 $0x0  }
0x16: {  	s3 =	sld [smem:$0x3FDB];
	s0 =	simm.s32 @p2 $0x1  }
0x17: {  	s4 =	simm.s32 $0x1BF5;
	[smem:$0x3FB4] =	sst s0  }
0x18: {  	s0 =	sld [smem:$0x3F97];
	_ =	swait.ge [sflag:s4], $0x0  }
0x19: {  	s7 =	sld [smem:$0x3F98]  }
0x1a: {  	s8 =	sadd.s32 $0xFFFFE003, lr  }
0x1b: {  	s9 =	sadd.s32 $0xFFFFFEF7, lr;
	s5 =	simm.s32 $0xFFFFFFFF;
	p2 =	slt.u32 s8, $0xFFFFF086  }
0x1c: {  	p1 =	slt.u32 s9, $0xF7A;
	s5 =	simm.s32 @!p2 $0x0  }
0x1d: {  	s5 =	simm.s32 @p1 $0x1;
	p0 =	seq.s32 s7, s2  }
0x1e: {  	s7 =	smul.u32 @!p0 $0xF7A, s2;
	p2 =	seq.s32 @!p0 s5, $0x0  }
0x1f: {  	s9 =	smul.u32 $0xF7A, s1;
	s8 =	simm.s32 @!p0 $0x1BF5;
	p2 =	por !p2, p0  }
0x20: {  	[sflag:s8] =	ssyncset.s32 @!p0 $0xFFFFF086;
	s6 =	sadd.s32 @!p0 s3, s7;
	s7 =	simm.s32 @!p0 $0x108  }
0x21: {  	s3 =	sadd.s32 s3, s9;
	s6 =	sadd.s32 @!p0 $0x88, s6;
	s7 =	simm.s32 @p2 $0x1082  }
0x22: {  	[simem:s7], [sflag:s8] =	dma.local @!p0 [hbm:s6], $0xF7A  }
0x23: {  	s9 =	sor.u32 $0xD0000000, s2;
	s6 =	simm.s32 $0x108;
	_ =	swait.ge @!p0 [sflag:s8], $0x0  }
0x24: {  	s3 =	sadd.s32 $0x88, s3;
	s6 =	simm.s32 @!p1 $0x1082;
	[sflag:s4] =	ssyncset.s32 $0xFFFFF086  }
0x25: {  	[simem:s6], [sflag:s4] =	dma.local [hbm:s3], $0xF7A  }
0x26: {  	[smem:$0x3F98] =	sst s1;
	(tag) =	ssettag s2;
	_ =	strace s9  }
0x27: {  	s1 =	sld [smem:$0x3FA8]  }
0x28: {  	s2 =	sld [smem:$0x3FA9]  }
0x29: {  	s4 =	sld [smem:$0x3FAB]  }
0x2a: {  	p0 =	seq.s32 s5, $0x0;
	s5 =	sld [smem:$0x3FAC]  }
0x2b: {  	s6 =	sld [smem:$0x3FAD]  }
0x2c: {  	s7 =	sld [smem:$0x3FAE]  }
0x2d: {  	s3 =	simm.s32 $0x108;
	s8 =	sld [smem:$0x3FAF]  }
0x2e: {  	s3 =	simm.s32 @!p0 $0x1082;
	s9 =	sld [smem:$0x3FB0]  }
0x2f: {  	lr =	sadd.s32 s0, s3;
	s0 =	sld [smem:$0x3FA7]  }
0x30: {  	s3 =	sld [smem:$0x3FAA]  }
0x31: {  	[smem:$0x3FB3] =	sst s10  }
0x32: {  	s10 =	sld [smem:$0x3FB1];
	_ =	sdelay $0x3  }
0x33: {  	p0 =	seq.s32 s10, $0x1;
	s10 =	sld [smem:$0x3FB3];
	_ =	sdelay $0x3  }
0x34: {  	[smem:$0x3FB3] =	sst s10  }
0x35: {  	s10 =	sld [smem:$0x3FB2];
	_ =	sdelay $0x3  }
0x36: {  	p1 =	seq.s32 s10, $0x1;
	s10 =	sld [smem:$0x3FB3];
	_ =	sdelay $0x3  }
0x37: {  	[smem:$0x3FB3] =	sst s10  }
0x38: {  	s10 =	sld [smem:$0x3FB4]  }
0x39: {  	_ = 	snop;
	(pc) =	sbr.ind lr, $3  }
0x3a: {  	_ = 	snop  }
0x3b: {  	_ = 	snop  }
0x3c: {  	p2 =	seq.s32 s10, $0x1;
	s10 =	sld [smem:$0x3FB3]  }
0x3d: {  	_ =	shalt  }
0x3e: {  	_ =	shalt  }
0x3f: {  	_ =	shalt  }
0x40: {  	_ =	shalt  }
0x41: {  	_ =	shalt  }
0x42: {  	_ =	shalt  }
0x43: {  	_ =	shalt  }
0x44: {  	_ =	shalt  }
0x45: {  	_ =	shalt  }
0x46: {  	_ =	shalt  }
0x47: {  	_ =	shalt  }
0x48: {  	_ =	shalt  }
0x49: {  	_ =	shalt  }
0x4a: {  	_ =	shalt  }
0x4b: {  	_ =	shalt  }
0x4c: {  	_ =	shalt  }
0x4d: {  	_ =	shalt  }
0x4e: {  	_ =	shalt  }
0x4f: {  	_ =	shalt  }
0x50: {  	_ =	shalt  }
0x51: {  	_ =	shalt  }
0x52: {  	_ =	shalt  }
0x53: {  	_ =	shalt  }
0x54: {  	_ =	shalt  }
0x55: {  	_ =	shalt  }
0x56: {  	_ =	shalt  }
0x57: {  	_ =	shalt  }
0x58: {  	_ =	shalt  }
0x59: {  	_ =	shalt  }
0x5a: {  	_ =	shalt  }
0x5b: {  	_ =	shalt  }
0x5c: {  	_ =	shalt  }
0x5d: {  	_ =	shalt  }
0x5e: {  	_ =	shalt  }
0x5f: {  	_ =	shalt  }
0x60: {  	_ =	shalt  }
0x61: {  	_ =	shalt  }
0x62: {  	_ =	shalt  }
0x63: {  	_ =	shalt  }
0x64: {  	_ =	shalt  }
0x65: {  	_ =	shalt  }
0x66: {  	_ =	shalt  }
0x67: {  	_ =	shalt  }
0x68: {  	_ =	shalt  }
0x69: {  	_ =	shalt  }
0x6a: {  	_ =	shalt  }
0x6b: {  	_ =	shalt  }
0x6c: {  	_ =	shalt  }
0x6d: {  	_ =	shalt  }
0x6e: {  	_ =	shalt  }
0x6f: {  	_ =	shalt  }
0x70: {  	_ =	shalt  }
0x71: {  	_ =	shalt  }
0x72: {  	_ =	shalt  }
0x73: {  	_ =	shalt  }
0x74: {  	_ =	shalt  }
0x75: {  	_ =	shalt  }
0x76: {  	_ =	shalt  }
0x77: {  	_ =	shalt  }
0x78: {  	_ =	shalt  }
0x79: {  	_ =	shalt  }
0x7a: {  	_ =	shalt  }
0x7b: {  	_ =	shalt  }
0x7c: {  	_ =	shalt  }
0x7d: {  	_ =	shalt  }
0x7e: {  	_ =	shalt  }
0x7f: {  	_ =	shalt  }
0x80: {  	_ =	shalt  }
0x81: {  	_ =	shalt  }
0x82: {  	_ =	shalt  }
0x83: {  	_ =	shalt  }
0x84: {  	_ =	shalt  }
0x85: {  	_ =	shalt  }
0x86: {  	_ =	shalt  }
0x87: {  	_ =	shalt  }
.Lfunc_end0:
.L_simem_size_0:
called_computation_lowered:
.L_overlay_start_0:
0x88: {  	s2 =	sld [smem:$0x3FD9]  }
0x89: {  	s3 =	sld [smem:$0x3FFE];
	_ =	sdelay $0x1  }
0x8a: {  	s1 =	srdreg.scid  }
0x8b: {  	s0 =	sand.u32 $0x1, s1  }
0x8c: {  	s17 =	sshll.u32 s0, $0xA;
	s2 =	sadd.s32 s3, s2  }
0x8d: {  	s2 =	sadd.s32 s2, s17  }
0x8e: {  	[smem:$0x3FBF] =	sst s2  }
0x8f: {  	_ = 	snop  }
0x90: {  	s2 =	sld [smem:$0x3FC8]  }
0x91: {  	s18 =	sld [smem:$0x3FD0];
	(tm) =	ssettm $0x1  }
0x92: {  	s4 =	sld [smem:$0x3FFB];
	_ =	sdelay $0x3  }
0x93: {  	_ =	strace s4  }
0x94: {  	s4 =	sld [smem:$0x3FFC];
	_ =	sdelay $0x3  }
0x95: {  	_ =	strace s4  }
0x96: {  	s4 =	sld [smem:$0x3FFD];
	_ =	sdelay $0x3  }
0x97: {  	_ =	strace s4  }
0x98: {  	_ =	strace $0x8FFFFFFF  }
0x99: {  	s19 =	sld [smem:$0x3FDB];
	_ =	sdelay $0x1  }
0x9a: {  	s5 =	simm.s32 $_scs_section_size  }
0x9b: {  	s6 =	simm.s32 $_size__tile_overlayer_lowered;
	s7 =	simm.s32 $_tile_overlayer_lowered  }
0x9c: {  	s22 =	simm.s32 $0x1BFF;
	s21 =	sshll.u32 s7, $0x1;
	s4 =	sadd.s32 s5, s19  }
0x9d: {  	s8 =	simm.s32 $0x0;
	s20 =	sshll.u32 s6, $0x1;
	s6 =	sadd.s32 s21, s4  }
0x9e: {  	[timem:s8], [sflag:s22] =	dma.local [hbm:s6], s20  }
0x9f: {  	_ =	swait.ge [sflag:s22], s20  }
0xa0: {  	s5 =	ssub.s32 $0x0, s20;
	[sflag:s22] =	ssyncset.done $0x0  }
0xa1: {  	[sflag:s22] =	ssyncadd.s32 s5;
	_ =	sdelay $0x1  }
0xa2: {  	s23 =	simm.s32 $0x1B8B  }
0xa3: {  	_ =	swait.ge [sflag:s23], $0x1  }
0xa4: {  	[sflag:s23] =	ssyncset.done $0x0  }
0xa5: {  	s25 =	simm.s32 $0x1B8E;
	s24 =	sld [smem:$0x3FFE];
	[sflag:s23] =	ssyncadd.s32 $0xFFFFFFFF  }
0xa6: {  	s26 =	simm.s32 $execute0_lowered;
	[smem:$0x3FD2] =	sst s25  }
0xa7: {  	s6 =	sshll.u32 s26, $0x1;
	_ =	strace $0x80000046;
	[dreg:$0x1] =	wrdreg $0xFFFFFFFF  }
0xa8: {  	s28 =	simm.s32 $_size_execute0_lowered;
	s4 =	sadd.s32 s4, s6;
	[dreg:$0x0] =	wrdreg $0x0  }
0xa9: {  	s6 =	sshll.u32 s28, $0x1;
	[dreg:$0x2] =	wrdreg s4  }
0xaa: {  	[dreg:$0x3] =	wrdreg s6  }
0xab: {  	[dreg:$0x4] =	wrdreg $0xC0  }
0xac: {  	_ =	task [dreg:s8], $0x5FFFF  }
0xad: {  	[dreg:$0x1] =	wrdreg $0xFFFFFFFF  }
0xae: {  	[dreg:$0x0] =	wrdreg $0x60  }
0xaf: {  	[dreg:$0x2] =	wrdreg s24  }
0xb0: {  	[dreg:$0x3] =	wrdreg s2  }
0xb1: {  	[dreg:$0x4] =	wrdreg s18  }
0xb2: {  	[dreg:$0x5] =	wrdreg $0x9  }
0xb3: {  	_ =	task.clear_ibuf [dreg:s8], $0x6FFFF;
	_ =	strace $0x90000046  }
0xb4: {  	s29 =	simm.s32 $0x9;
	_ =	strace $0x80000048  }
0xb5: {  	_ =	swait.ge [sflag:s29], $0x1  }
0xb6: {  	[sflag:s29] =	ssyncadd.s32 $0xFFFFFFFF  }
0xb7: {  	_ =	strace $0x90000048  }
0xb8: {  	_ =	sfence  }
0xb9: {  	s30 =	sld [smem:$0x0];
	_ =	sdelay $0x2  }
0xba: {  	s31 =	sshll.u32 s1, $0xD;
	s1 =	sshrl.u32 s1, $0x2  }
0xbb: {  	s3 =	sand.u32 $0x4000, s31;
	s1 =	sadd.s32 s1, s30  }
0xbc: {  	s0 =	sor.u32 s3, s0;
	s1 =	sshll.u32 s1, $0x11  }
0xbd: {  	s0 =	sor.u32 s1, s0  }
0xbe: {  	s0 =	sadd.s32 $0x8F2B, s0  }
0xbf: {  	[sflag:s0] =	ssyncadd.remote.s32 $0x1  }
0xc0: {  	_ =	sfence.sel $0xFFFF  }
0xc1: {  	[dreg:$0x0] =	wrdreg $0xFFFFFFFF;
	(pc) =	sbr.abs _section_cstart, $3  }
0xc2: {  	[dreg:$0x1] =	wrdreg $0xFFFFFFFF  }
0xc3: {  	_ =	task.clear_ibuf [dreg:s8], $0x2FFFF;
	_ =	strace $0x9FFFFFFF  }
0xc4: {  	(tm) =	ssettm $0x7FFFFFFF  }
0xc5: {  	_ =	shalt  }
tec
execute0_lowered:
.L_overlay_start_1:
0x0: {  	(tag) =	ssettag $0x1  }
0x1: {  	s5 =	rddreg [dreg:$0x0];
	s1 =	srdreg.scid  }
0x2: {  	s3 =	rddreg [dreg:$0x1];
	s0 =	stileid.u32;
	s12 =	sand.u32 $0x1, s1  }
0x3: {  	s10 =	rddreg [dreg:$0x2];
	s4 =	sshll.u32 s0, $0x9;
	s6 =	sshll.u32 s12, $0x8  }
0x4: {  	s2 =	simm.s32 $0x0;
	s1 =	rddreg [dreg:$0x3];
	s11 =	sor.u32 s6, s4  }
0x5: {  	[smem:$0x7FF] =	sst s2;
	s4 =	sshrl.u32 s11, $0x3  }
0x6: {  	_ =	strace $0x80000047;
	s3 =	sadd.s32 s3, s4;
	s4 =	simm.s32 $0x5  }
0x7: {  	[tilespmem:s2], [sflag:$0x5] =	stream.linear.gather [hbm4b:s3+s2], $0x100, $0x38;
	[tilespmem:$0x8100] =	vst v63  }
0x8: {  	_ =	swait.ge [sflag:s4], $0x100  }
0x9: {  	s7 =	simm.s32 $0x100;
	[sflag:s4] =	ssyncset.done $0x0  }
0xa: {  	s5 =	sadd.s32 $0x1A00, s5;
	s6 =	simm.s32 $0x80;
	[sflag:s4] =	ssyncadd.s32 $0xFFFFFF00  }
0xb: {  	[tilespmem:s7], [sflag:$0x1] =	stream.indirect.gather [hbm4b:s5+s6], $0x80, s2, s6, $0xb8;
	[tilespmem:$0x8100] =	vst v63  }
0xc: {  	s8 =	simm.s32 $0x4100;
	s9 =	simm.s32 $0x1  }
0xd: {  	[tilespmem:s8], [sflag:$0x2] =	stream.indirect.gather [hbm4b:s5+s6], $0x80, s6, s6, $0xb8;
	[tilespmem:$0x8100] =	vst v63  }
0xe: {  	s14 =	ssub.s32 $0x2, s12;
	_ =	swait.ge [sflag:s9], $0x4000  }
0xf: {  	s15 =	sshrl.u32 s14, $0x1;
	s11 =	sshll.u32 s11, $0x4;
	[sflag:s9] =	ssyncset.done $0x0  }
0x10: {  	s10 =	sadd.s32 s10, s11;
	s11 =	simm.s32 $0x2;
	[sflag:s9] =	ssyncadd.s32 $0xFFFFC000  }
0x11: {  	[hbm4b:s10+s2] =	stream.linear.scatter [tilespmem:s7], [sflag:$0x3], $0x4000, $0x38;
	[tilespmem:$0x8100] =	vst v63  }
0x12: {  	s14 =	ssub.s32 s14, s15;
	_ =	swait.ge [sflag:s11], $0x4000  }
0x13: {  	s13 =	simm.s32 $0x3;
	s15 =	smax.u32 s14, $0x1;
	[sflag:s11] =	ssyncset.done $0x0  }
0x14: {  	s12 =	sadd.s32 $0x800, s10;
	p0 =	sne.s32 s15, $0x1;
	[sflag:s11] =	ssyncadd.s32 $0xFFFFC000  }
0x15: {  	[hbm4b:s12+s2] =	stream.linear.scatter [tilespmem:s8], [sflag:$0x4], $0x4000, $0x38;
	[tilespmem:$0x8100] =	vst v63  }
.Ltmp0:
0x16: {  	_ =	swait.ge [sflag:s13], $0x4000;
	(pc) =	sbr.rel @!p0 .LBB2_2-.Ltmp0, $4  }
0x17: {  	[sflag:s13] =	ssyncset.done $0x0  }
0x18: {  	s14 =	simm.s32 $0x4;
	[sflag:s13] =	ssyncadd.s32 $0xFFFFC000  }
0x19: {  	_ =	swait.ge [sflag:s14], $0x4000  }
0x1a: {  	s15 =	sadd.s32 $0xFFFFFFFF, s15;
	[sflag:s14] =	ssyncset.done $0x0  }
.LBB2_1:
0x1b: {  	p0 =	sne.s32 s15, $0x1;
	s15 =	sadd.s32 $0xFFFFFFFF, s15;
	[sflag:s14] =	ssyncadd.s32 $0xFFFFC000  }
0x1c: {  	[tilespmem:s2], [sflag:$0x5] =	stream.linear.gather [hbm4b:s3+s2], $0x100, $0x38;
	[tilespmem:$0x8100] =	vst v63  }
0x1d: {  	_ =	swait.ge [sflag:s4], $0x100  }
0x1e: {  	[sflag:s4] =	ssyncset.done $0x0  }
0x1f: {  	[sflag:s4] =	ssyncadd.s32 $0xFFFFFF00  }
0x20: {  	[tilespmem:s7], [sflag:$0x1] =	stream.indirect.gather [hbm4b:s5+s6], $0x80, s2, s6, $0xb8;
	[tilespmem:$0x8100] =	vst v63  }
0x21: {  	_ = 	snop  }
0x22: {  	[tilespmem:s8], [sflag:$0x2] =	stream.indirect.gather [hbm4b:s5+s6], $0x80, s6, s6, $0xb8;
	[tilespmem:$0x8100] =	vst v63  }
0x23: {  	_ =	swait.ge [sflag:s9], $0x4000  }
0x24: {  	[sflag:s9] =	ssyncset.done $0x0  }
0x25: {  	[sflag:s9] =	ssyncadd.s32 $0xFFFFC000  }
0x26: {  	[hbm4b:s10+s2] =	stream.linear.scatter [tilespmem:s7], [sflag:$0x3], $0x4000, $0x38;
	[tilespmem:$0x8100] =	vst v63  }
0x27: {  	_ =	swait.ge [sflag:s11], $0x4000  }
0x28: {  	[sflag:s11] =	ssyncset.done $0x0  }
0x29: {  	[sflag:s11] =	ssyncadd.s32 $0xFFFFC000  }
0x2a: {  	[hbm4b:s12+s2] =	stream.linear.scatter [tilespmem:s8], [sflag:$0x4], $0x4000, $0x38;
	[tilespmem:$0x8100] =	vst v63  }
.Ltmp1:
0x2b: {  	_ =	swait.ge [sflag:s13], $0x4000;
	(pc) =	sbr.rel @p0 .LBB2_1-.Ltmp1, $4  }
0x2c: {  	[sflag:s13] =	ssyncset.done $0x0  }
0x2d: {  	[sflag:s13] =	ssyncadd.s32 $0xFFFFC000  }
0x2e: {  	_ =	swait.ge [sflag:s14], $0x4000  }
0x2f: {  	[sflag:s14] =	ssyncset.done $0x0  }
.LBB2_2:
0x30: {  	[sflag:s14] =	ssyncadd.s32 $0xFFFFC000  }
0x31: {  	_ =	sfence.sel $0x180000  }
0x32: {  	[bflag:$0x0] =	sbarrier.arrive $0xFFFF  }
0x33: {  	p0 =	sne.s32 s0, $0x0;
	_ =	strace $0x90000047  }
0x34: {  	s0 =	sadd.s32 @!p0 $0x100000, s1;
	[bflag:$0x2] =	sbarrier.arrive $0xFFFF  }
0x35: {  	[sflag:s0] =	ssyncadd.tile.s32 @!p0 $0x1;
	_ =	shalt  }
.Lfunc_end2:
_tile_overlayer_lowered:
.L_overlay_start_2:
0x36: {  	(tag) =	ssettag $0x2  }
0x37: {  	s0 =	rddreg [dreg:$0x0];
	s2 =	stileid.u32  }
0x38: {  	s1 =	rddreg [dreg:$0x1];
	p0 =	sne.s32 s2, $0x0  }
0x39: {  	s3 =	rddreg [dreg:$0x2];
	[bflag:$0x3] =	sbarrier.arrive $0xFFFF;
	s2 =	simm.s32 @!p0 $0x1C05  }
0x3a: {  	[timem:s3], [sflag:s2] =	dma.local @!p0 [hbm:s0], s1  }
0x3b: {  	s0 =	simm.s32 @!p0 $0x5  }
0x3c: {  	_ =	swait.ge @!p0 [sflag:s0], s1  }
0x3d: {  	s1 =	ssub.s32 @!p0 $0x0, s1;
	[sflag:s0] =	ssyncset.done @!p0 $0x0  }
0x3e: {  	[sflag:s0] =	ssyncadd.s32 @!p0 s1  }
0x3f: {  	[bflag:$0x3] =	sbarrier.arrive $0xFFFF  }
0x40: {  	_ =	shalt  }

// kernel: kernel.9.cloned.1.call-start
scs
__scs_entry_jumppad:
0x0: {  	(pc) =	sbr.rel $0x88, $3  }
0x1: {  	(tag) =	ssettag $0x0;
	lr =	simm.s32 $0x1  }
0x2: {  	[smem:$0x3F98] =	sst lr;
	_ =	strace $0xD0000000  }
0x3: {  	_ = 	snop  }
0x4: {  	_ = 	snop  }
0x5: {  	_ = 	snop  }
0x6: {  	_ = 	snop  }
0x7: {  	_ = 	snop  }
__scs_overlays_trampoline_lowered:
0x8: {  	[smem:$0x3FA7] =	sst s0  }
0x9: {  	[smem:$0x3FA8] =	sst s1  }
0xa: {  	[smem:$0x3FA9] =	sst s2  }
0xb: {  	[smem:$0x3FAA] =	sst s3  }
0xc: {  	[smem:$0x3FAB] =	sst s4  }
0xd: {  	[smem:$0x3FAC] =	sst s5  }
0xe: {  	[smem:$0x3FAD] =	sst s6  }
0xf: {  	[smem:$0x3FAE] =	sst s7  }
0x10: {  	[smem:$0x3FAF] =	sst s8  }
0x11: {  	[smem:$0x3FB0] =	sst s9;
	s0 =	simm.s32 @!p0 $0x0  }
0x12: {  	s1 =	sld [smem:$0x3F96];
	s0 =	simm.s32 @p0 $0x1  }
0x13: {  	[smem:$0x3FB1] =	sst s0;
	s0 =	simm.s32 @!p1 $0x0  }
0x14: {  	s2 =	sld [smem:$0x3F95];
	s0 =	simm.s32 @p1 $0x1  }
0x15: {  	[smem:$0x3FB2] =	sst s0;
	s0 =	simm.s32 @!p2 $0x0  }
0x16: {  	s3 =	sld [smem:$0x3FDB];
	s0 =	simm.s32 @p2 $0x1  }
0x17: {  	s4 =	simm.s32 $0x1BF5;
	[smem:$0x3FB4] =	sst s0  }
0x18: {  	s0 =	sld [smem:$0x3F97];
	_ =	swait.ge [sflag:s4], $0x0  }
0x19: {  	s7 =	sld [smem:$0x3F98]  }
0x1a: {  	s8 =	sadd.s32 $0xFFFFE003, lr  }
0x1b: {  	s9 =	sadd.s32 $0xFFFFFEF7, lr;
	s5 =	simm.s32 $0xFFFFFFFF;
	p2 =	slt.u32 s8, $0xFFFFF086  }
0x1c: {  	p1 =	slt.u32 s9, $0xF7A;
	s5 =	simm.s32 @!p2 $0x0  }
0x1d: {  	s5 =	simm.s32 @p1 $0x1;
	p0 =	seq.s32 s7, s2  }
0x1e: {  	s7 =	smul.u32 @!p0 $0xF7A, s2;
	p2 =	seq.s32 @!p0 s5, $0x0  }
0x1f: {  	s9 =	smul.u32 $0xF7A, s1;
	s8 =	simm.s32 @!p0 $0x1BF5;
	p2 =	por !p2, p0  }
0x20: {  	[sflag:s8] =	ssyncset.s32 @!p0 $0xFFFFF086;
	s6 =	sadd.s32 @!p0 s3, s7;
	s7 =	simm.s32 @!p0 $0x108  }
0x21: {  	s3 =	sadd.s32 s3, s9;
	s6 =	sadd.s32 @!p0 $0x88, s6;
	s7 =	simm.s32 @p2 $0x1082  }
0x22: {  	[simem:s7], [sflag:s8] =	dma.local @!p0 [hbm:s6], $0xF7A  }
0x23: {  	s9 =	sor.u32 $0xD0000000, s2;
	s6 =	simm.s32 $0x108;
	_ =	swait.ge @!p0 [sflag:s8], $0x0  }
0x24: {  	s3 =	sadd.s32 $0x88, s3;
	s6 =	simm.s32 @!p1 $0x1082;
	[sflag:s4] =	ssyncset.s32 $0xFFFFF086  }
0x25: {  	[simem:s6], [sflag:s4] =	dma.local [hbm:s3], $0xF7A  }
0x26: {  	[smem:$0x3F98] =	sst s1;
	(tag) =	ssettag s2;
	_ =	strace s9  }
0x27: {  	s1 =	sld [smem:$0x3FA8]  }
0x28: {  	s2 =	sld [smem:$0x3FA9]  }
0x29: {  	s4 =	sld [smem:$0x3FAB]  }
0x2a: {  	p0 =	seq.s32 s5, $0x0;
	s5 =	sld [smem:$0x3FAC]  }
0x2b: {  	s6 =	sld [smem:$0x3FAD]  }
0x2c: {  	s7 =	sld [smem:$0x3FAE]  }
0x2d: {  	s3 =	simm.s32 $0x108;
	s8 =	sld [smem:$0x3FAF]  }
0x2e: {  	s3 =	simm.s32 @!p0 $0x1082;
	s9 =	sld [smem:$0x3FB0]  }
0x2f: {  	lr =	sadd.s32 s0, s3;
	s0 =	sld [smem:$0x3FA7]  }
0x30: {  	s3 =	sld [smem:$0x3FAA]  }
0x31: {  	[smem:$0x3FB3] =	sst s10  }
0x32: {  	s10 =	sld [smem:$0x3FB1];
	_ =	sdelay $0x3  }
0x33: {  	p0 =	seq.s32 s10, $0x1;
	s10 =	sld [smem:$0x3FB3];
	_ =	sdelay $0x3  }
0x34: {  	[smem:$0x3FB3] =	sst s10  }
0x35: {  	s10 =	sld [smem:$0x3FB2];
	_ =	sdelay $0x3  }
0x36: {  	p1 =	seq.s32 s10, $0x1;
	s10 =	sld [smem:$0x3FB3];
	_ =	sdelay $0x3  }
0x37: {  	[smem:$0x3FB3] =	sst s10  }
0x38: {  	s10 =	sld [smem:$0x3FB4]  }
0x39: {  	_ = 	snop;
	(pc) =	sbr.ind lr, $3  }
0x3a: {  	_ = 	snop  }
0x3b: {  	_ = 	snop  }
0x3c: {  	p2 =	seq.s32 s10, $0x1;
	s10 =	sld [smem:$0x3FB3]  }
0x3d: {  	_ =	shalt  }
0x3e: {  	_ =	shalt  }
0x3f: {  	_ =	shalt  }
0x40: {  	_ =	shalt  }
0x41: {  	_ =	shalt  }
0x42: {  	_ =	shalt  }
0x43: {  	_ =	shalt  }
0x44: {  	_ =	shalt  }
0x45: {  	_ =	shalt  }
0x46: {  	_ =	shalt  }
0x47: {  	_ =	shalt  }
0x48: {  	_ =	shalt  }
0x49: {  	_ =	shalt  }
0x4a: {  	_ =	shalt  }
0x4b: {  	_ =	shalt  }
0x4c: {  	_ =	shalt  }
0x4d: {  	_ =	shalt  }
0x4e: {  	_ =	shalt  }
0x4f: {  	_ =	shalt  }
0x50: {  	_ =	shalt  }
0x51: {  	_ =	shalt  }
0x52: {  	_ =	shalt  }
0x53: {  	_ =	shalt  }
0x54: {  	_ =	shalt  }
0x55: {  	_ =	shalt  }
0x56: {  	_ =	shalt  }
0x57: {  	_ =	shalt  }
0x58: {  	_ =	shalt  }
0x59: {  	_ =	shalt  }
0x5a: {  	_ =	shalt  }
0x5b: {  	_ =	shalt  }
0x5c: {  	_ =	shalt  }
0x5d: {  	_ =	shalt  }
0x5e: {  	_ =	shalt  }
0x5f: {  	_ =	shalt  }
0x60: {  	_ =	shalt  }
0x61: {  	_ =	shalt  }
0x62: {  	_ =	shalt  }
0x63: {  	_ =	shalt  }
0x64: {  	_ =	shalt  }
0x65: {  	_ =	shalt  }
0x66: {  	_ =	shalt  }
0x67: {  	_ =	shalt  }
0x68: {  	_ =	shalt  }
0x69: {  	_ =	shalt  }
0x6a: {  	_ =	shalt  }
0x6b: {  	_ =	shalt  }
0x6c: {  	_ =	shalt  }
0x6d: {  	_ =	shalt  }
0x6e: {  	_ =	shalt  }
0x6f: {  	_ =	shalt  }
0x70: {  	_ =	shalt  }
0x71: {  	_ =	shalt  }
0x72: {  	_ =	shalt  }
0x73: {  	_ =	shalt  }
0x74: {  	_ =	shalt  }
0x75: {  	_ =	shalt  }
0x76: {  	_ =	shalt  }
0x77: {  	_ =	shalt  }
0x78: {  	_ =	shalt  }
0x79: {  	_ =	shalt  }
0x7a: {  	_ =	shalt  }
0x7b: {  	_ =	shalt  }
0x7c: {  	_ =	shalt  }
0x7d: {  	_ =	shalt  }
0x7e: {  	_ =	shalt  }
0x7f: {  	_ =	shalt  }
0x80: {  	_ =	shalt  }
0x81: {  	_ =	shalt  }
0x82: {  	_ =	shalt  }
0x83: {  	_ =	shalt  }
0x84: {  	_ =	shalt  }
0x85: {  	_ =	shalt  }
0x86: {  	_ =	shalt  }
0x87: {  	_ =	shalt  }
.Lfunc_end0:
.L_simem_size_0:
called_computation.1_lowered:
.L_overlay_start_0:
0x88: {  	s2 =	sld [smem:$0x3FD9]  }
0x89: {  	s3 =	sld [smem:$0x3FFE];
	_ =	sdelay $0x1  }
0x8a: {  	s1 =	srdreg.scid  }
0x8b: {  	s0 =	sand.u32 $0x1, s1  }
0x8c: {  	s17 =	sshll.u32 s0, $0xA;
	s2 =	sadd.s32 s3, s2  }
0x8d: {  	s2 =	sadd.s32 s2, s17  }
0x8e: {  	[smem:$0x3FBF] =	sst s2  }
0x8f: {  	_ = 	snop  }
0x90: {  	s18 =	sld [smem:$0x3FC8];
	(tm) =	ssettm $0x1  }
0x91: {  	s19 =	sld [smem:$0x3FFB];
	_ =	sdelay $0x3  }
0x92: {  	_ =	strace s19  }
0x93: {  	s2 =	sld [smem:$0x3FFC];
	_ =	sdelay $0x3  }
0x94: {  	_ =	strace s2  }
0x95: {  	s2 =	sld [smem:$0x3FFD];
	_ =	sdelay $0x3  }
0x96: {  	_ =	strace s2  }
0x97: {  	_ =	strace $0x8FFFFFFF  }
0x98: {  	s20 =	sld [smem:$0x3FDB];
	_ =	sdelay $0x1  }
0x99: {  	s4 =	simm.s32 $_scs_section_size  }
0x9a: {  	s5 =	simm.s32 $_size__tile_overlayer_lowered;
	s6 =	simm.s32 $_tile_overlayer_lowered  }
0x9b: {  	s7 =	simm.s32 $0x1BFF;
	s21 =	sshll.u32 s6, $0x1;
	s4 =	sadd.s32 s4, s20  }
0x9c: {  	s22 =	simm.s32 $0x0;
	s5 =	sshll.u32 s5, $0x1;
	s6 =	sadd.s32 s21, s4  }
0x9d: {  	[timem:s22], [sflag:s7] =	dma.local [hbm:s6], s5  }
0x9e: {  	_ =	swait.ge [sflag:s7], s5  }
0x9f: {  	s5 =	ssub.s32 $0x0, s5;
	[sflag:s7] =	ssyncset.done $0x0  }
0xa0: {  	[sflag:s7] =	ssyncadd.s32 s5;
	_ =	sdelay $0x1  }
0xa1: {  	s23 =	simm.s32 $0x1B8B  }
0xa2: {  	_ =	swait.ge [sflag:s23], $0x1  }
0xa3: {  	[sflag:s23] =	ssyncset.done $0x0  }
0xa4: {  	[sflag:s23] =	ssyncadd.s32 $0xFFFFFFFF  }
0xa5: {  	s5 =	sld [smem:$0x0]  }
0xa6: {  	s6 =	sand.u32 $0xFFFFFFFE, s1  }
0xa7: {  	p0 =	sne.s32 s1, s6  }
0xa8: {  	s6 =	sshll.u32 @p0 s6, $0xE  }
0xa9: {  	s6 =	sadd.s32 @p0 $0x11B8D, s6;
	s7 =	sshll.u32 @p0 s5, $0x11  }
0xaa: {  	s6 =	sor.u32 @p0 s7, s6  }
0xab: {  	[sflag:s6] =	ssyncadd.remote.s32 @p0 $0x1;
	_ =	sdelay $0x1  }
0xac: {  	s6 =	simm.s32 @p0 $0x1B8D  }
0xad: {  	_ =	swait.eq @p0 [sflag:s6], $0x1  }
0xae: {  	[sflag:s6] =	ssyncadd.s32 @p0 $0xFFFFFFFF  }
0xaf: {  	s7 =	sshll.u32 @!p0 s1, $0xE  }
0xb0: {  	s7 =	sor.u32 @!p0 $0x4000, s7;
	s6 =	simm.s32 @!p0 $0x1B8D  }
0xb1: {  	s5 =	sshll.u32 @!p0 s5, $0x11;
	s7 =	sadd.s32 @!p0 $0x11B8D, s7;
	_ =	swait.eq @!p0 [sflag:s6], $0x1  }
0xb2: {  	s5 =	sor.u32 @!p0 s5, s7;
	[sflag:s6] =	ssyncadd.s32 @!p0 $0xFFFFFFFF  }
0xb3: {  	s25 =	simm.s32 $0x1B8E;
	s24 =	sld [smem:$0x3FFE];
	[sflag:s5] =	ssyncadd.remote.s32 @!p0 $0x1  }
0xb4: {  	s26 =	simm.s32 $execute0_lowered;
	[smem:$0x3FD2] =	sst s25  }
0xb5: {  	s6 =	sshll.u32 s26, $0x1;
	_ =	strace $0x80000049;
	[dreg:$0x1] =	wrdreg $0xFFFFFFFF  }
0xb6: {  	s28 =	simm.s32 $_size_execute0_lowered;
	s4 =	sadd.s32 s4, s6;
	[dreg:$0x0] =	wrdreg $0x0  }
0xb7: {  	s6 =	sshll.u32 s28, $0x1;
	[dreg:$0x2] =	wrdreg s4  }
0xb8: {  	[dreg:$0x3] =	wrdreg s6  }
0xb9: {  	[dreg:$0x4] =	wrdreg $0xC0  }
0xba: {  	_ =	task [dreg:s22], $0x5FFFF  }
0xbb: {  	[dreg:$0x1] =	wrdreg $0xFFFFFFFF  }
0xbc: {  	[dreg:$0x0] =	wrdreg $0x60  }
0xbd: {  	[dreg:$0x2] =	wrdreg s24  }
0xbe: {  	[dreg:$0x3] =	wrdreg s18  }
0xbf: {  	[dreg:$0x4] =	wrdreg $0xA  }
0xc0: {  	_ =	task.clear_ibuf [dreg:s22], $0x5FFFF;
	_ =	strace $0x90000049  }
0xc1: {  	s29 =	simm.s32 $0xA;
	_ =	strace $0x8000004B  }
0xc2: {  	_ =	swait.ge [sflag:s29], $0x1  }
0xc3: {  	[sflag:s29] =	ssyncadd.s32 $0xFFFFFFFF  }
0xc4: {  	_ =	strace $0x9000004B  }
0xc5: {  	_ =	sfence  }
0xc6: {  	s30 =	sld [smem:$0x0];
	_ =	sdelay $0x2  }
0xc7: {  	s31 =	sshll.u32 s1, $0xD;
	s1 =	sshrl.u32 s1, $0x2  }
0xc8: {  	s4 =	sand.u32 $0x4000, s31;
	s1 =	sadd.s32 s1, s30  }
0xc9: {  	s0 =	sor.u32 s4, s0;
	s1 =	sshll.u32 s1, $0x11  }
0xca: {  	s0 =	sor.u32 s1, s0  }
0xcb: {  	s0 =	sadd.s32 $0x8F2B, s0  }
0xcc: {  	[sflag:s0] =	ssyncadd.remote.s32 $0x1  }
0xcd: {  	_ =	sfence.sel $0xFFFF  }
0xce: {  	[dreg:$0x0] =	wrdreg $0xFFFFFFFF;
	(pc) =	sbr.abs _section_cstart, $3  }
0xcf: {  	[dreg:$0x1] =	wrdreg $0xFFFFFFFF  }
0xd0: {  	_ =	task.clear_ibuf [dreg:s22], $0x2FFFF;
	_ =	strace $0x9FFFFFFF  }
0xd1: {  	(tm) =	ssettm $0x7FFFFFFF  }
tec
execute0_lowered:
.L_overlay_start_1:
0x0: {  	(tag) =	ssettag $0x1  }
0x1: {  	s1 =	srdreg.scid  }
0x2: {  	s0 =	stileid.u32;
	s12 =	sand.u32 $0x1, s1  }
0x3: {  	s10 =	rddreg [dreg:$0x0];
	s31 =	sshll.u32 s0, $0x9;
	s2 =	sshll.u32 s12, $0x8  }
0x4: {  	s3 =	rddreg [dreg:$0x1];
	s11 =	sor.u32 s2, s31  }
0x5: {  	s1 =	rddreg [dreg:$0x2];
	s2 =	simm.s32 $0x0;
	s4 =	sshrl.u32 s11, $0x3  }
0x6: {  	[smem:$0x7FF] =	sst s2;
	s3 =	sadd.s32 s4, s3  }
0x7: {  	_ =	strace $0x8000004A;
	s4 =	simm.s32 $0x5;
	s3 =	sadd.s32 $0x400, s3  }
0x8: {  	[tilespmem:s2], [sflag:$0x5] =	stream.linear.gather [hbm4b:s3+s2], $0x100, $0x38;
	[tilespmem:$0x8100] =	vst v63  }
0x9: {  	_ =	swait.ge [sflag:s4], $0x100  }
0xa: {  	s6 =	simm.s32 $0x80;
	[sflag:s4] =	ssyncset.done $0x0  }
0xb: {  	s7 =	simm.s32 $0x100;
	s5 =	sadd.s32 $0x1A00, s10;
	[sflag:s4] =	ssyncadd.s32 $0xFFFFFF00  }
0xc: {  	[tilespmem:s7], [sflag:$0x1] =	stream.indirect.gather [hbm4b:s5+s6], $0x80, s2, s6, $0xb8;
	[tilespmem:$0x8100] =	vst v63  }
0xd: {  	s8 =	simm.s32 $0x4100;
	s9 =	simm.s32 $0x1  }
0xe: {  	[tilespmem:s8], [sflag:$0x2] =	stream.indirect.gather [hbm4b:s5+s6], $0x80, s6, s6, $0xb8;
	[tilespmem:$0x8100] =	vst v63  }
0xf: {  	s14 =	ssub.s32 $0x2, s12;
	s11 =	sshll.u32 s11, $0x4;
	_ =	swait.ge [sflag:s9], $0x4000  }
0x10: {  	s15 =	sshrl.u32 s14, $0x1;
	s13 =	sadd.s32 s11, s10;
	[sflag:s9] =	ssyncset.done $0x0  }
0x11: {  	s11 =	simm.s32 $0x2;
	s10 =	sadd.s32 $0x3C00, s13;
	[sflag:s9] =	ssyncadd.s32 $0xFFFFC000  }
0x12: {  	[hbm4b:s10+s2] =	stream.linear.scatter [tilespmem:s7], [sflag:$0x3], $0x4000, $0x38;
	[tilespmem:$0x8100] =	vst v63  }
0x13: {  	s14 =	ssub.s32 s14, s15;
	_ =	swait.ge [sflag:s11], $0x4000  }
0x14: {  	s15 =	smax.u32 s14, $0x1;
	s12 =	sadd.s32 $0x4400, s13;
	[sflag:s11] =	ssyncset.done $0x0  }
0x15: {  	s13 =	simm.s32 $0x3;
	p0 =	sne.s32 s15, $0x1;
	[sflag:s11] =	ssyncadd.s32 $0xFFFFC000  }
0x16: {  	[hbm4b:s12+s2] =	stream.linear.scatter [tilespmem:s8], [sflag:$0x4], $0x4000, $0x38;
	[tilespmem:$0x8100] =	vst v63  }
.Ltmp0:
0x17: {  	_ =	swait.ge [sflag:s13], $0x4000;
	(pc) =	sbr.rel @!p0 .LBB2_2-.Ltmp0, $4  }
0x18: {  	[sflag:s13] =	ssyncset.done $0x0  }
0x19: {  	s14 =	simm.s32 $0x4;
	[sflag:s13] =	ssyncadd.s32 $0xFFFFC000  }
0x1a: {  	_ =	swait.ge [sflag:s14], $0x4000  }
0x1b: {  	s15 =	sadd.s32 $0xFFFFFFFF, s15;
	[sflag:s14] =	ssyncset.done $0x0  }
.LBB2_1:
0x1c: {  	p0 =	sne.s32 s15, $0x1;
	s15 =	sadd.s32 $0xFFFFFFFF, s15;
	[sflag:s14] =	ssyncadd.s32 $0xFFFFC000  }
0x1d: {  	[tilespmem:s2], [sflag:$0x5] =	stream.linear.gather [hbm4b:s3+s2], $0x100, $0x38;
	[tilespmem:$0x8100] =	vst v63  }
0x1e: {  	_ =	swait.ge [sflag:s4], $0x100  }
0x1f: {  	[sflag:s4] =	ssyncset.done $0x0  }
0x20: {  	[sflag:s4] =	ssyncadd.s32 $0xFFFFFF00  }
0x21: {  	[tilespmem:s7], [sflag:$0x1] =	stream.indirect.gather [hbm4b:s5+s6], $0x80, s2, s6, $0xb8;
	[tilespmem:$0x8100] =	vst v63  }
0x22: {  	_ = 	snop  }
0x23: {  	[tilespmem:s8], [sflag:$0x2] =	stream.indirect.gather [hbm4b:s5+s6], $0x80, s6, s6, $0xb8;
	[tilespmem:$0x8100] =	vst v63  }
0x24: {  	_ =	swait.ge [sflag:s9], $0x4000  }
0x25: {  	[sflag:s9] =	ssyncset.done $0x0  }
0x26: {  	[sflag:s9] =	ssyncadd.s32 $0xFFFFC000  }
0x27: {  	[hbm4b:s10+s2] =	stream.linear.scatter [tilespmem:s7], [sflag:$0x3], $0x4000, $0x38;
	[tilespmem:$0x8100] =	vst v63  }
0x28: {  	_ =	swait.ge [sflag:s11], $0x4000  }
0x29: {  	[sflag:s11] =	ssyncset.done $0x0  }
0x2a: {  	[sflag:s11] =	ssyncadd.s32 $0xFFFFC000  }
0x2b: {  	[hbm4b:s12+s2] =	stream.linear.scatter [tilespmem:s8], [sflag:$0x4], $0x4000, $0x38;
	[tilespmem:$0x8100] =	vst v63  }
.Ltmp1:
0x2c: {  	_ =	swait.ge [sflag:s13], $0x4000;
	(pc) =	sbr.rel @p0 .LBB2_1-.Ltmp1, $4  }
0x2d: {  	[sflag:s13] =	ssyncset.done $0x0  }
0x2e: {  	[sflag:s13] =	ssyncadd.s32 $0xFFFFC000  }
0x2f: {  	_ =	swait.ge [sflag:s14], $0x4000  }
0x30: {  	[sflag:s14] =	ssyncset.done $0x0  }
.LBB2_2:
0x31: {  	[sflag:s14] =	ssyncadd.s32 $0xFFFFC000  }
0x32: {  	_ =	sfence.sel $0x180000  }
0x33: {  	[bflag:$0x0] =	sbarrier.arrive $0xFFFF  }
0x34: {  	p0 =	sne.s32 s0, $0x0;
	_ =	strace $0x9000004A  }
0x35: {  	s0 =	sadd.s32 @!p0 $0x100000, s1;
	[bflag:$0x2] =	sbarrier.arrive $0xFFFF  }
0x36: {  	[sflag:s0] =	ssyncadd.tile.s32 @!p0 $0x1;
	_ =	shalt  }
.Lfunc_end2:
_tile_overlayer_lowered:
.L_overlay_start_2:
0x37: {  	(tag) =	ssettag $0x2  }
0x38: {  	s0 =	rddreg [dreg:$0x0];
	s2 =	stileid.u32  }
0x39: {  	s1 =	rddreg [dreg:$0x1];
	p0 =	sne.s32 s2, $0x0  }
0x3a: {  	s3 =	rddreg [dreg:$0x2];
	[bflag:$0x3] =	sbarrier.arrive $0xFFFF;
	s2 =	simm.s32 @!p0 $0x1C05  }
0x3b: {  	[timem:s3], [sflag:s2] =	dma.local @!p0 [hbm:s0], s1  }
0x3c: {  	s0 =	simm.s32 @!p0 $0x5  }
0x3d: {  	_ =	swait.ge @!p0 [sflag:s0], s1  }
0x3e: {  	s1 =	ssub.s32 @!p0 $0x0, s1;
	[sflag:s0] =	ssyncset.done @!p0 $0x0  }
0x3f: {  	[sflag:s0] =	ssyncadd.s32 @!p0 s1  }
0x40: {  	[bflag:$0x3] =	sbarrier.arrive $0xFFFF  }
0x41: {  	_ =	shalt  }

</sc_bundles>
